<compile_context>
chip_gen: v7x
topology: tpu7x:2x2x1
jax: 0.10.2.dev20260603
libtpu: 0.0.44.dev20260713+nightly
codegen_flags: <defaults>
</compile_context>

<pallas_src>
import jax
import jax.numpy as jnp
from jax import lax
from jax.experimental import pallas as pl
from jax.experimental.pallas import tpu as pltpu
from jax.experimental.pallas import tpu_sc as plsc

NC = 2
NS = 16
NW = NC * NS

R = 64
HALF = 25000
W = 2 * HALF
N = 800000
ROWS_PER_W = R // NW

CHUNK = 3200
N_CHUNKS = N // CHUNK
STEPS = CHUNK // 16
NBUF = 2

CH_PER_SUPER = 10
SUPER = CH_PER_SUPER * CHUNK
N_SUPER = N_CHUNKS // CH_PER_SUPER


def _body(b_hbm, nb_hbm, idx_hbm, out_hbm, table_v, idx_v, out_v, idx_s,
          sin0, sin1, sout0, sout1, sload, stab):
    sid = lax.axis_index("s")
    wid = sid * NC + lax.axis_index("c")
    r0 = wid * ROWS_PER_W
    sin = [sin0, sin1]
    sout = [sout0, sout1]

    @pl.when(sid == 0)
    def _():
        pltpu.sync_copy(idx_hbm.at[pl.ds(0, SUPER)], idx_s.at[pl.ds(0, SUPER)])

    tcopies = [
        pltpu.make_async_copy(b_hbm.at[pl.ds(r0 * HALF, HALF)],
                              table_v.at[pl.ds(0, HALF)], stab),
        pltpu.make_async_copy(nb_hbm.at[pl.ds(r0 * HALF, HALF)],
                              table_v.at[pl.ds(HALF, HALF)], stab),
        pltpu.make_async_copy(b_hbm.at[pl.ds((r0 + 1) * HALF, HALF)],
                              table_v.at[pl.ds(W, HALF)], stab),
        pltpu.make_async_copy(nb_hbm.at[pl.ds((r0 + 1) * HALF, HALF)],
                              table_v.at[pl.ds(W + HALF, HALF)], stab),
    ]
    for c in tcopies:
        c.start()
    for c in tcopies:
        c.wait()

    plsc.subcore_barrier()

    def idx_start(p, lc, b):
        pltpu.async_copy(idx_s.at[pl.ds(p * SUPER + lc * CHUNK, CHUNK)],
                         idx_v.at[pl.ds(b * CHUNK, CHUNK)], sin[b])

    def idx_wait(p, lc, b):
        pltpu.make_async_copy(idx_s.at[pl.ds(p * SUPER + lc * CHUNK, CHUNK)],
                              idx_v.at[pl.ds(b * CHUNK, CHUNK)], sin[b]).wait()

    def out_copies(cc, b):
        base = cc * CHUNK
        c0 = pltpu.make_async_copy(out_v.at[pl.ds(2 * b * CHUNK, CHUNK)],
                                   out_hbm.at[r0, pl.ds(base, CHUNK)], sout[b])
        c1 = pltpu.make_async_copy(out_v.at[pl.ds((2 * b + 1) * CHUNK, CHUNK)],
                                   out_hbm.at[r0 + 1, pl.ds(base, CHUNK)], sout[b])
        return c0, c1

    def super_loop(s, _):
        p = lax.rem(s, 2)
        pnext = 1 - p

        @pl.when((sid == 0) & (s + 1 < N_SUPER))
        def _():
            pltpu.async_copy(idx_hbm.at[pl.ds((s + 1) * SUPER, SUPER)],
                             idx_s.at[pl.ds(pnext * SUPER, SUPER)], sload)

        idx_start(p, 0, 0)
        idx_start(p, 1, 1)

        def chunk_pair(c, _):
            for b in range(NBUF):
                lc = NBUF * c + b
                cc = s * CH_PER_SUPER + lc

                idx_wait(p, lc, b)

                @pl.when(cc >= NBUF)
                def _():
                    c0, c1 = out_copies(cc - NBUF, b)
                    c0.wait()
                    c1.wait()

                @plsc.parallel_loop(0, STEPS, unroll=16)
                def gather_body(i):
                    off = i * 16
                    iv = idx_v[pl.ds(b * CHUNK + off, 16)]
                    out_v[pl.ds(2 * b * CHUNK + off, 16)] = plsc.load_gather(table_v, [iv])
                    out_v[pl.ds((2 * b + 1) * CHUNK + off, 16)] = plsc.load_gather(table_v, [iv + W])

                c0, c1 = out_copies(cc, b)
                c0.start()
                c1.start()

                @pl.when(lc + NBUF < CH_PER_SUPER)
                def _():
                    idx_start(p, lc + NBUF, b)
            return 0

        lax.fori_loop(0, CH_PER_SUPER // NBUF, chunk_pair, 0)

        @pl.when((sid == 0) & (s + 1 < N_SUPER))
        def _():
            pltpu.make_async_copy(idx_hbm.at[pl.ds((s + 1) * SUPER, SUPER)],
                                  idx_s.at[pl.ds(pnext * SUPER, SUPER)], sload).wait()

        plsc.subcore_barrier()
        return 0

    lax.fori_loop(0, N_SUPER, super_loop, 0)

    for b in range(NBUF):
        c0, c1 = out_copies(N_CHUNKS - NBUF + b, b)
        c0.wait()
        c1.wait()


@jax.jit
def _run(b_Q, nb_Q, idx):
    mesh = plsc.VectorSubcoreMesh(core_axis_name="c", subcore_axis_name="s")
    return pl.kernel(
        _body,
        out_type=jax.ShapeDtypeStruct((R, N), jnp.float32),
        mesh=mesh,
        scratch_types=[
            pltpu.VMEM((2 * W,), jnp.float32),
            pltpu.VMEM((NBUF * CHUNK,), jnp.int32),
            pltpu.VMEM((NBUF * 2 * CHUNK,), jnp.float32),
            pltpu.VMEM_SHARED((2 * SUPER,), jnp.int32),
            pltpu.SemaphoreType.DMA,
            pltpu.SemaphoreType.DMA,
            pltpu.SemaphoreType.DMA,
            pltpu.SemaphoreType.DMA,
            pltpu.SemaphoreType.DMA,
            pltpu.SemaphoreType.DMA,
        ],
        compiler_params=pltpu.CompilerParams(needs_layout_passes=False),
    )(b_Q.reshape(-1), nb_Q.reshape(-1), idx)


def kernel(b_Q, nb_Q, all_indices):
    return _run(b_Q, nb_Q, all_indices.astype(jnp.int32))

# --- scband reference (transcript-rebuilt; emitter-appended) ---
"""Pipeline reference for scband-combine-q-6073083756914 (READ-ONLY COPY).

The authoritative reference and input builder live on the scoring server;
editing this copy changes nothing except your own understanding.
"""

import jax, jax.numpy as jnp
import numpy as np


def setup_inputs(seed: int = 0) -> dict:
    key = jax.random.key(seed)
    k1, k2, k3 = jax.random.split(key, 3)
    b_Q = jax.random.normal(k1, (64, 25000), dtype=jnp.float32)
    nb_Q = jax.random.normal(k2, (64, 25000), dtype=jnp.float32)
    all_indices = jax.random.randint(k3, (800000,), 0, 50000, dtype=jnp.int64 if jax.config.jax_enable_x64 else jnp.int32)
    return {"b_Q": b_Q, "nb_Q": nb_Q, "all_indices": all_indices}


def reference(b_Q, nb_Q, all_indices):
    # Faithful translation of CombineQ.call:
    #   _Q = tf.concat([b_Q, nb_Q], axis=1)
    #   decompFE = tf.gather(_Q, all_indices, axis=1)
    _Q = jnp.concatenate([b_Q, nb_Q], axis=1)
    decompFE = jnp.take(_Q, all_indices, axis=1)
    return decompFE

if __name__ == "__main__":
    import jax
    _d = setup_inputs()
    print(jax.jit(kernel)(*tuple(_d.values())))

</pallas_src>

<mosaic_0001>
#map = affine_map<(d0, d1) -> (0)>
#map1 = affine_map<(d0, d1) -> (0, 0)>
module attributes {stable_mosaic.version = 14 : i64} {
  func.func @_body(%arg0: i32, %arg1: i32, %arg2: memref<1600000xf32, #tpu.memory_space<hbm>>, %arg3: memref<1600000xf32, #tpu.memory_space<hbm>>, %arg4: memref<800000xi32, #tpu.memory_space<hbm>>, %arg5: memref<64x800000xf32, #tpu.memory_space<hbm>>, %arg6: memref<100000xf32, #tpu.memory_space<vmem>>, %arg7: memref<6400xi32, #tpu.memory_space<vmem>>, %arg8: memref<12800xf32, #tpu.memory_space<vmem>>, %arg9: memref<64000xi32, #tpu.memory_space<vmem_shared>>, %arg10: memref<!tpu.dma_semaphore, #tpu.memory_space<semaphore_mem>>, %arg11: memref<!tpu.dma_semaphore, #tpu.memory_space<semaphore_mem>>, %arg12: memref<!tpu.dma_semaphore, #tpu.memory_space<semaphore_mem>>, %arg13: memref<!tpu.dma_semaphore, #tpu.memory_space<semaphore_mem>>, %arg14: memref<!tpu.dma_semaphore, #tpu.memory_space<semaphore_mem>>, %arg15: memref<!tpu.dma_semaphore, #tpu.memory_space<semaphore_mem>>) attributes {dimension_semantics = [#tpu.dimension_semantics<core_parallel>, #tpu.dimension_semantics<subcore_parallel>], iteration_bounds = array<i64: 2, 16>, scalar_prefetch = 0 : i64, scratch_operands = 10 : i64, tpu.core_type = #tpu.core_type<sc_vector_subcore>, window_params = [{transform_indices = #map}, {transform_indices = #map}, {transform_indices = #map}, {transform_indices = #map1}]} {
    %mul3A = arith.constant 2 : i32
    %mul3A_0 = arith.muli %arg1, %mul3A : i32
    %add3A = arith.addi %mul3A_0, %arg0 : i32
    %mul3A_1 = arith.constant 2 : i32
    %mul3A_2 = arith.muli %add3A, %mul3A_1 : i32
    %eq3A = arith.constant 0 : i32
    %eq3A_3 = arith.cmpi eq, %arg1, %eq3A : i32
    %convert_element_type3A = arith.extui %eq3A_3 : i1 to i32
    %cond3A = arith.constant 0 : i32
    %cond3A_4 = arith.cmpi ne, %convert_element_type3A, %cond3A : i32
    scf.if %cond3A_4 {
      "tpu.region"() ({
        %run_scoped3A = tpu.sem_alloc : memref<!tpu.dma_semaphore, #tpu.memory_space<semaphore_mem>>
        %dma_start3A_113 = arith.constant 0 : i32
        %dma_start3A_114 = tpu.memref_slice %arg9[%dma_start3A_113] : memref<64000xi32, #tpu.memory_space<vmem_shared>> -> memref<32000xi32, #tpu.memory_space<vmem_shared>>
        %dma_start3A_115 = arith.constant 0 : i32
        %dma_start3A_116 = tpu.memref_slice %arg4[%dma_start3A_115] : memref<800000xi32, #tpu.memory_space<hbm>> -> memref<32000xi32, #tpu.memory_space<hbm>>
        tpu.enqueue_dma source(%dma_start3A_116 : memref<32000xi32, #tpu.memory_space<hbm>>) target(%dma_start3A_114 : memref<32000xi32, #tpu.memory_space<vmem_shared>>) target_semaphore(%run_scoped3A : memref<!tpu.dma_semaphore, #tpu.memory_space<semaphore_mem>>)
        %dma_wait3A_117 = arith.constant 0 : i32
        %dma_wait3A_118 = tpu.memref_slice %arg9[%dma_wait3A_117] : memref<64000xi32, #tpu.memory_space<vmem_shared>> -> memref<32000xi32, #tpu.memory_space<vmem_shared>>
        %dma_wait3A_119 = arith.constant 0 : i32
        %dma_wait3A_120 = tpu.memref_slice %arg4[%dma_wait3A_119] : memref<800000xi32, #tpu.memory_space<hbm>> -> memref<32000xi32, #tpu.memory_space<hbm>>
        tpu.wait_dma2 semaphore(%run_scoped3A : memref<!tpu.dma_semaphore, #tpu.memory_space<semaphore_mem>>) src(%dma_wait3A_120 : memref<32000xi32, #tpu.memory_space<hbm>>) dst(%dma_wait3A_118 : memref<32000xi32, #tpu.memory_space<vmem_shared>>)
        tpu.yield
      }) : () -> ()
    } else {
    }
    %mul3A_5 = arith.constant 25000 : i32
    %mul3A_6 = arith.muli %mul3A_2, %mul3A_5 : i32
    %mul3A_7 = arith.constant 25000 : i32
    %mul3A_8 = arith.muli %mul3A_2, %mul3A_7 : i32
    %add3A_9 = arith.constant 1 : i32
    %add3A_10 = arith.addi %mul3A_2, %add3A_9 : i32
    %mul3A_11 = arith.constant 25000 : i32
    %mul3A_12 = arith.muli %add3A_10, %mul3A_11 : i32
    %add3A_13 = arith.constant 1 : i32
    %add3A_14 = arith.addi %mul3A_2, %add3A_13 : i32
    %mul3A_15 = arith.constant 25000 : i32
    %mul3A_16 = arith.muli %add3A_14, %mul3A_15 : i32
    %dma_start3A = arith.constant 0 : i32
    %dma_start3A_17 = tpu.memref_slice %arg6[%dma_start3A] : memref<100000xf32, #tpu.memory_space<vmem>> -> memref<25000xf32, #tpu.memory_space<vmem>>
    %dma_start3A_18 = tpu.memref_slice %arg2[%mul3A_6] : memref<1600000xf32, #tpu.memory_space<hbm>> -> memref<25000xf32, #tpu.memory_space<hbm>>
    %dma_start3A_19 = arith.constant 0 : i32
    %dma_start3A_20 = tpu.memref_slice %arg6[%dma_start3A_19] : memref<100000xf32, #tpu.memory_space<vmem>> -> memref<25000xf32, #tpu.memory_space<vmem>>
    %dma_start3A_21 = tpu.memref_slice %arg2[%mul3A_6] : memref<1600000xf32, #tpu.memory_space<hbm>> -> memref<25000xf32, #tpu.memory_space<hbm>>
    tpu.enqueue_dma source(%dma_start3A_21 : memref<25000xf32, #tpu.memory_space<hbm>>) target(%dma_start3A_20 : memref<25000xf32, #tpu.memory_space<vmem>>) target_semaphore(%arg15 : memref<!tpu.dma_semaphore, #tpu.memory_space<semaphore_mem>>)
    %dma_start3A_22 = arith.constant 25000 : i32
    %dma_start3A_23 = tpu.memref_slice %arg6[%dma_start3A_22] : memref<100000xf32, #tpu.memory_space<vmem>> -> memref<25000xf32, #tpu.memory_space<vmem>>
    %dma_start3A_24 = tpu.memref_slice %arg3[%mul3A_8] : memref<1600000xf32, #tpu.memory_space<hbm>> -> memref<25000xf32, #tpu.memory_space<hbm>>
    %dma_start3A_25 = arith.constant 25000 : i32
    %dma_start3A_26 = tpu.memref_slice %arg6[%dma_start3A_25] : memref<100000xf32, #tpu.memory_space<vmem>> -> memref<25000xf32, #tpu.memory_space<vmem>>
    %dma_start3A_27 = tpu.memref_slice %arg3[%mul3A_8] : memref<1600000xf32, #tpu.memory_space<hbm>> -> memref<25000xf32, #tpu.memory_space<hbm>>
    tpu.enqueue_dma source(%dma_start3A_27 : memref<25000xf32, #tpu.memory_space<hbm>>) target(%dma_start3A_26 : memref<25000xf32, #tpu.memory_space<vmem>>) target_semaphore(%arg15 : memref<!tpu.dma_semaphore, #tpu.memory_space<semaphore_mem>>)
    %dma_start3A_28 = arith.constant 50000 : i32
    %dma_start3A_29 = tpu.memref_slice %arg6[%dma_start3A_28] : memref<100000xf32, #tpu.memory_space<vmem>> -> memref<25000xf32, #tpu.memory_space<vmem>>
    %dma_start3A_30 = tpu.memref_slice %arg2[%mul3A_12] : memref<1600000xf32, #tpu.memory_space<hbm>> -> memref<25000xf32, #tpu.memory_space<hbm>>
    %dma_start3A_31 = arith.constant 50000 : i32
    %dma_start3A_32 = tpu.memref_slice %arg6[%dma_start3A_31] : memref<100000xf32, #tpu.memory_space<vmem>> -> memref<25000xf32, #tpu.memory_space<vmem>>
    %dma_start3A_33 = tpu.memref_slice %arg2[%mul3A_12] : memref<1600000xf32, #tpu.memory_space<hbm>> -> memref<25000xf32, #tpu.memory_space<hbm>>
    tpu.enqueue_dma source(%dma_start3A_33 : memref<25000xf32, #tpu.memory_space<hbm>>) target(%dma_start3A_32 : memref<25000xf32, #tpu.memory_space<vmem>>) target_semaphore(%arg15 : memref<!tpu.dma_semaphore, #tpu.memory_space<semaphore_mem>>)
    %dma_start3A_34 = arith.constant 75000 : i32
    %dma_start3A_35 = tpu.memref_slice %arg6[%dma_start3A_34] : memref<100000xf32, #tpu.memory_space<vmem>> -> memref<25000xf32, #tpu.memory_space<vmem>>
    %dma_start3A_36 = tpu.memref_slice %arg3[%mul3A_16] : memref<1600000xf32, #tpu.memory_space<hbm>> -> memref<25000xf32, #tpu.memory_space<hbm>>
    %dma_start3A_37 = arith.constant 75000 : i32
    %dma_start3A_38 = tpu.memref_slice %arg6[%dma_start3A_37] : memref<100000xf32, #tpu.memory_space<vmem>> -> memref<25000xf32, #tpu.memory_space<vmem>>
    %dma_start3A_39 = tpu.memref_slice %arg3[%mul3A_16] : memref<1600000xf32, #tpu.memory_space<hbm>> -> memref<25000xf32, #tpu.memory_space<hbm>>
    tpu.enqueue_dma source(%dma_start3A_39 : memref<25000xf32, #tpu.memory_space<hbm>>) target(%dma_start3A_38 : memref<25000xf32, #tpu.memory_space<vmem>>) target_semaphore(%arg15 : memref<!tpu.dma_semaphore, #tpu.memory_space<semaphore_mem>>)
    %dma_wait3A = arith.constant 0 : i32
    %dma_wait3A_40 = tpu.memref_slice %arg6[%dma_wait3A] : memref<100000xf32, #tpu.memory_space<vmem>> -> memref<25000xf32, #tpu.memory_space<vmem>>
    %dma_wait3A_41 = tpu.memref_slice %arg2[%mul3A_6] : memref<1600000xf32, #tpu.memory_space<hbm>> -> memref<25000xf32, #tpu.memory_space<hbm>>
    %dma_wait3A_42 = arith.constant 0 : i32
    %dma_wait3A_43 = tpu.memref_slice %arg6[%dma_wait3A_42] : memref<100000xf32, #tpu.memory_space<vmem>> -> memref<25000xf32, #tpu.memory_space<vmem>>
    %dma_wait3A_44 = tpu.memref_slice %arg2[%mul3A_6] : memref<1600000xf32, #tpu.memory_space<hbm>> -> memref<25000xf32, #tpu.memory_space<hbm>>
    tpu.wait_dma2 semaphore(%arg15 : memref<!tpu.dma_semaphore, #tpu.memory_space<semaphore_mem>>) src(%dma_wait3A_44 : memref<25000xf32, #tpu.memory_space<hbm>>) dst(%dma_wait3A_43 : memref<25000xf32, #tpu.memory_space<vmem>>)
    %dma_wait3A_45 = arith.constant 25000 : i32
    %dma_wait3A_46 = tpu.memref_slice %arg6[%dma_wait3A_45] : memref<100000xf32, #tpu.memory_space<vmem>> -> memref<25000xf32, #tpu.memory_space<vmem>>
    %dma_wait3A_47 = tpu.memref_slice %arg3[%mul3A_8] : memref<1600000xf32, #tpu.memory_space<hbm>> -> memref<25000xf32, #tpu.memory_space<hbm>>
    %dma_wait3A_48 = arith.constant 25000 : i32
    %dma_wait3A_49 = tpu.memref_slice %arg6[%dma_wait3A_48] : memref<100000xf32, #tpu.memory_space<vmem>> -> memref<25000xf32, #tpu.memory_space<vmem>>
    %dma_wait3A_50 = tpu.memref_slice %arg3[%mul3A_8] : memref<1600000xf32, #tpu.memory_space<hbm>> -> memref<25000xf32, #tpu.memory_space<hbm>>
    tpu.wait_dma2 semaphore(%arg15 : memref<!tpu.dma_semaphore, #tpu.memory_space<semaphore_mem>>) src(%dma_wait3A_50 : memref<25000xf32, #tpu.memory_space<hbm>>) dst(%dma_wait3A_49 : memref<25000xf32, #tpu.memory_space<vmem>>)
    %dma_wait3A_51 = arith.constant 50000 : i32
    %dma_wait3A_52 = tpu.memref_slice %arg6[%dma_wait3A_51] : memref<100000xf32, #tpu.memory_space<vmem>> -> memref<25000xf32, #tpu.memory_space<vmem>>
    %dma_wait3A_53 = tpu.memref_slice %arg2[%mul3A_12] : memref<1600000xf32, #tpu.memory_space<hbm>> -> memref<25000xf32, #tpu.memory_space<hbm>>
    %dma_wait3A_54 = arith.constant 50000 : i32
    %dma_wait3A_55 = tpu.memref_slice %arg6[%dma_wait3A_54] : memref<100000xf32, #tpu.memory_space<vmem>> -> memref<25000xf32, #tpu.memory_space<vmem>>
    %dma_wait3A_56 = tpu.memref_slice %arg2[%mul3A_12] : memref<1600000xf32, #tpu.memory_space<hbm>> -> memref<25000xf32, #tpu.memory_space<hbm>>
    tpu.wait_dma2 semaphore(%arg15 : memref<!tpu.dma_semaphore, #tpu.memory_space<semaphore_mem>>) src(%dma_wait3A_56 : memref<25000xf32, #tpu.memory_space<hbm>>) dst(%dma_wait3A_55 : memref<25000xf32, #tpu.memory_space<vmem>>)
    %dma_wait3A_57 = arith.constant 75000 : i32
    %dma_wait3A_58 = tpu.memref_slice %arg6[%dma_wait3A_57] : memref<100000xf32, #tpu.memory_space<vmem>> -> memref<25000xf32, #tpu.memory_space<vmem>>
    %dma_wait3A_59 = tpu.memref_slice %arg3[%mul3A_16] : memref<1600000xf32, #tpu.memory_space<hbm>> -> memref<25000xf32, #tpu.memory_space<hbm>>
    %dma_wait3A_60 = arith.constant 75000 : i32
    %dma_wait3A_61 = tpu.memref_slice %arg6[%dma_wait3A_60] : memref<100000xf32, #tpu.memory_space<vmem>> -> memref<25000xf32, #tpu.memory_space<vmem>>
    %dma_wait3A_62 = tpu.memref_slice %arg3[%mul3A_16] : memref<1600000xf32, #tpu.memory_space<hbm>> -> memref<25000xf32, #tpu.memory_space<hbm>>
    tpu.wait_dma2 semaphore(%arg15 : memref<!tpu.dma_semaphore, #tpu.memory_space<semaphore_mem>>) src(%dma_wait3A_62 : memref<25000xf32, #tpu.memory_space<hbm>>) dst(%dma_wait3A_61 : memref<25000xf32, #tpu.memory_space<vmem>>)
    %barrier3A = arith.constant 0 : index
    tpu.barrier barrier_id(%barrier3A)
    %scan3A = arith.constant 0 : i32
    %scan3A_63 = arith.constant 0 : i32
    %scan3A_64 = arith.constant 25 : i32
    %scan3A_65 = arith.addi %scan3A_63, %scan3A_64 : i32
    %scan3A_66 = arith.constant 1 : i32
    %scan3A_67 = scf.for %scan3A_113 = %scan3A_63 to %scan3A_65 step %scan3A_66 iter_args(%scan3A_114 = %scan3A) -> (i32)  : i32 {
      %rem3A = arith.constant 2 : i32
      %rem3A_115 = arith.remsi %scan3A_113, %rem3A : i32
      %sub3A = arith.constant 1 : i32
      %sub3A_116 = arith.subi %sub3A, %rem3A_115 : i32
      %eq3A_117 = arith.constant 0 : i32
      %eq3A_118 = arith.cmpi eq, %arg1, %eq3A_117 : i32
      %add3A_119 = arith.constant 1 : i32
      %add3A_120 = arith.addi %scan3A_113, %add3A_119 : i32
      %lt3A = arith.constant 25 : i32
      %lt3A_121 = arith.cmpi slt, %add3A_120, %lt3A : i32
      %and3A = arith.andi %eq3A_118, %lt3A_121 : i1
      %convert_element_type3A_122 = arith.extui %and3A : i1 to i32
      %cond3A_123 = arith.constant 0 : i32
      %cond3A_124 = arith.cmpi ne, %convert_element_type3A_122, %cond3A_123 : i32
      scf.if %cond3A_124 {
        %add3A_164 = arith.constant 1 : i32
        %add3A_165 = arith.addi %scan3A_113, %add3A_164 : i32
        %mul3A_166 = arith.constant 32000 : i32
        %mul3A_167 = arith.muli %add3A_165, %mul3A_166 : i32
        %mul3A_168 = arith.constant 32000 : i32
        %mul3A_169 = arith.muli %sub3A_116, %mul3A_168 : i32
        %dma_start3A_170 = tpu.memref_slice %arg9[%mul3A_169] : memref<64000xi32, #tpu.memory_space<vmem_shared>> -> memref<32000xi32, #tpu.memory_space<vmem_shared>>
        %dma_start3A_171 = tpu.memref_slice %arg4[%mul3A_167] : memref<800000xi32, #tpu.memory_space<hbm>> -> memref<32000xi32, #tpu.memory_space<hbm>>
        tpu.enqueue_dma source(%dma_start3A_171 : memref<32000xi32, #tpu.memory_space<hbm>>) target(%dma_start3A_170 : memref<32000xi32, #tpu.memory_space<vmem_shared>>) target_semaphore(%arg14 : memref<!tpu.dma_semaphore, #tpu.memory_space<semaphore_mem>>)
      } else {
      }
      %mul3A_125 = arith.constant 32000 : i32
      %mul3A_126 = arith.muli %rem3A_115, %mul3A_125 : i32
      %add3A_127 = arith.constant 0 : i32
      %add3A_128 = arith.addi %mul3A_126, %add3A_127 : i32
      %dma_start3A_129 = arith.constant 0 : i32
      %dma_start3A_130 = tpu.memref_slice %arg7[%dma_start3A_129] : memref<6400xi32, #tpu.memory_space<vmem>> -> memref<3200xi32, #tpu.memory_space<vmem>>
      %dma_start3A_131 = tpu.memref_slice %arg9[%add3A_128] : memref<64000xi32, #tpu.memory_space<vmem_shared>> -> memref<3200xi32, #tpu.memory_space<vmem_shared>>
      %dma_start3A_132 = arith.constant 0 : i32
      %dma_start3A_133 = tpu.memref_slice %arg7[%dma_start3A_132] : memref<6400xi32, #tpu.memory_space<vmem>> -> memref<3200xi32, #tpu.memory_space<vmem>>
      %dma_start3A_134 = tpu.memref_slice %arg9[%add3A_128] : memref<64000xi32, #tpu.memory_space<vmem_shared>> -> memref<3200xi32, #tpu.memory_space<vmem_shared>>
      tpu.enqueue_dma source(%dma_start3A_134 : memref<3200xi32, #tpu.memory_space<vmem_shared>>) target(%dma_start3A_133 : memref<3200xi32, #tpu.memory_space<vmem>>) target_semaphore(%arg10 : memref<!tpu.dma_semaphore, #tpu.memory_space<semaphore_mem>>)
      %mul3A_135 = arith.constant 32000 : i32
      %mul3A_136 = arith.muli %rem3A_115, %mul3A_135 : i32
      %add3A_137 = arith.constant 3200 : i32
      %add3A_138 = arith.addi %mul3A_136, %add3A_137 : i32
      %dma_start3A_139 = arith.constant 3200 : i32
      %dma_start3A_140 = tpu.memref_slice %arg7[%dma_start3A_139] : memref<6400xi32, #tpu.memory_space<vmem>> -> memref<3200xi32, #tpu.memory_space<vmem>>
      %dma_start3A_141 = tpu.memref_slice %arg9[%add3A_138] : memref<64000xi32, #tpu.memory_space<vmem_shared>> -> memref<3200xi32, #tpu.memory_space<vmem_shared>>
      %dma_start3A_142 = arith.constant 3200 : i32
      %dma_start3A_143 = tpu.memref_slice %arg7[%dma_start3A_142] : memref<6400xi32, #tpu.memory_space<vmem>> -> memref<3200xi32, #tpu.memory_space<vmem>>
      %dma_start3A_144 = tpu.memref_slice %arg9[%add3A_138] : memref<64000xi32, #tpu.memory_space<vmem_shared>> -> memref<3200xi32, #tpu.memory_space<vmem_shared>>
      tpu.enqueue_dma source(%dma_start3A_144 : memref<3200xi32, #tpu.memory_space<vmem_shared>>) target(%dma_start3A_143 : memref<3200xi32, #tpu.memory_space<vmem>>) target_semaphore(%arg11 : memref<!tpu.dma_semaphore, #tpu.memory_space<semaphore_mem>>)
      %scan3A_145 = arith.constant 0 : i32
      %scan3A_146 = arith.constant 0 : i32
      %scan3A_147 = arith.constant 5 : i32
      %scan3A_148 = arith.addi %scan3A_146, %scan3A_147 : i32
      %scan3A_149 = arith.constant 1 : i32
      %scan3A_150 = scf.for %scan3A_164 = %scan3A_146 to %scan3A_148 step %scan3A_149 iter_args(%scan3A_165 = %scan3A_145) -> (i32)  : i32 {
        %mul3A_166 = arith.constant 2 : i32
        %mul3A_167 = arith.muli %mul3A_166, %scan3A_164 : i32
        %add3A_168 = arith.constant 0 : i32
        %add3A_169 = arith.addi %mul3A_167, %add3A_168 : i32
        %mul3A_170 = arith.constant 10 : i32
        %mul3A_171 = arith.muli %scan3A_113, %mul3A_170 : i32
        %add3A_172 = arith.addi %mul3A_171, %add3A_169 : i32
        %mul3A_173 = arith.constant 32000 : i32
        %mul3A_174 = arith.muli %rem3A_115, %mul3A_173 : i32
        %mul3A_175 = arith.constant 3200 : i32
        %mul3A_176 = arith.muli %add3A_169, %mul3A_175 : i32
        %add3A_177 = arith.addi %mul3A_174, %mul3A_176 : i32
        %dma_wait3A_178 = arith.constant 0 : i32
        %dma_wait3A_179 = tpu.memref_slice %arg7[%dma_wait3A_178] : memref<6400xi32, #tpu.memory_space<vmem>> -> memref<3200xi32, #tpu.memory_space<vmem>>
        %dma_wait3A_180 = tpu.memref_slice %arg9[%add3A_177] : memref<64000xi32, #tpu.memory_space<vmem_shared>> -> memref<3200xi32, #tpu.memory_space<vmem_shared>>
        %dma_wait3A_181 = arith.constant 0 : i32
        %dma_wait3A_182 = tpu.memref_slice %arg7[%dma_wait3A_181] : memref<6400xi32, #tpu.memory_space<vmem>> -> memref<3200xi32, #tpu.memory_space<vmem>>
        %dma_wait3A_183 = tpu.memref_slice %arg9[%add3A_177] : memref<64000xi32, #tpu.memory_space<vmem_shared>> -> memref<3200xi32, #tpu.memory_space<vmem_shared>>
        tpu.wait_dma2 semaphore(%arg10 : memref<!tpu.dma_semaphore, #tpu.memory_space<semaphore_mem>>) src(%dma_wait3A_183 : memref<3200xi32, #tpu.memory_space<vmem_shared>>) dst(%dma_wait3A_182 : memref<3200xi32, #tpu.memory_space<vmem>>)
        %ge3A = arith.constant 2 : i32
        %ge3A_184 = arith.cmpi sge, %add3A_172, %ge3A : i32
        %convert_element_type3A_185 = arith.extui %ge3A_184 : i1 to i32
        %cond3A_186 = arith.constant 0 : i32
        %cond3A_187 = arith.cmpi ne, %convert_element_type3A_185, %cond3A_186 : i32
        scf.if %cond3A_187 {
          %sub3A_271 = arith.constant 2 : i32
          %sub3A_272 = arith.subi %add3A_172, %sub3A_271 : i32
          %mul3A_273 = arith.constant 3200 : i32
          %mul3A_274 = arith.muli %sub3A_272, %mul3A_273 : i32
          %add3A_275 = arith.constant 1 : i32
          %add3A_276 = arith.addi %mul3A_2, %add3A_275 : i32
          %dma_wait3A_277 = arith.constant 0 : i32
          %dma_wait3A_278 = tpu.memref_slice %arg8[%dma_wait3A_277] : memref<12800xf32, #tpu.memory_space<vmem>> -> memref<3200xf32, #tpu.memory_space<vmem>>
          %dma_wait3A_279 = tpu.memref_slice %arg5[%mul3A_2, %mul3A_274] : memref<64x800000xf32, #tpu.memory_space<hbm>> -> memref<1x3200xf32, #tpu.memory_space<hbm>>
          %dma_wait3A_280 = tpu.memref_squeeze %dma_wait3A_279 : memref<1x3200xf32, #tpu.memory_space<hbm>> -> memref<3200xf32, #tpu.memory_space<hbm>>
          %dma_wait3A_281 = tpu.memref_slice %arg5[%mul3A_2, %mul3A_274] : memref<64x800000xf32, #tpu.memory_space<hbm>> -> memref<1x3200xf32, #tpu.memory_space<hbm>>
          %dma_wait3A_282 = tpu.memref_squeeze %dma_wait3A_281 : memref<1x3200xf32, #tpu.memory_space<hbm>> -> memref<3200xf32, #tpu.memory_space<hbm>>
          %dma_wait3A_283 = arith.constant 0 : i32
          %dma_wait3A_284 = tpu.memref_slice %arg8[%dma_wait3A_283] : memref<12800xf32, #tpu.memory_space<vmem>> -> memref<3200xf32, #tpu.memory_space<vmem>>
          tpu.wait_dma2 semaphore(%arg12 : memref<!tpu.dma_semaphore, #tpu.memory_space<semaphore_mem>>) src(%dma_wait3A_284 : memref<3200xf32, #tpu.memory_space<vmem>>) dst(%dma_wait3A_282 : memref<3200xf32, #tpu.memory_space<hbm>>)
          %dma_wait3A_285 = arith.constant 3200 : i32
          %dma_wait3A_286 = tpu.memref_slice %arg8[%dma_wait3A_285] : memref<12800xf32, #tpu.memory_space<vmem>> -> memref<3200xf32, #tpu.memory_space<vmem>>
          %dma_wait3A_287 = tpu.memref_slice %arg5[%add3A_276, %mul3A_274] : memref<64x800000xf32, #tpu.memory_space<hbm>> -> memref<1x3200xf32, #tpu.memory_space<hbm>>
          %dma_wait3A_288 = tpu.memref_squeeze %dma_wait3A_287 : memref<1x3200xf32, #tpu.memory_space<hbm>> -> memref<3200xf32, #tpu.memory_space<hbm>>
          %dma_wait3A_289 = tpu.memref_slice %arg5[%add3A_276, %mul3A_274] : memref<64x800000xf32, #tpu.memory_space<hbm>> -> memref<1x3200xf32, #tpu.memory_space<hbm>>
          %dma_wait3A_290 = tpu.memref_squeeze %dma_wait3A_289 : memref<1x3200xf32, #tpu.memory_space<hbm>> -> memref<3200xf32, #tpu.memory_space<hbm>>
          %dma_wait3A_291 = arith.constant 3200 : i32
          %dma_wait3A_292 = tpu.memref_slice %arg8[%dma_wait3A_291] : memref<12800xf32, #tpu.memory_space<vmem>> -> memref<3200xf32, #tpu.memory_space<vmem>>
          tpu.wait_dma2 semaphore(%arg12 : memref<!tpu.dma_semaphore, #tpu.memory_space<semaphore_mem>>) src(%dma_wait3A_292 : memref<3200xf32, #tpu.memory_space<vmem>>) dst(%dma_wait3A_290 : memref<3200xf32, #tpu.memory_space<hbm>>)
        } else {
        }
        %parallel_loop3A = arith.constant 0 : i32
        %parallel_loop3A_188 = arith.constant 200 : i32
        %parallel_loop3A_189 = arith.constant 1 : i32
        scf.for %parallel_loop3A_271 = %parallel_loop3A to %parallel_loop3A_188 step %parallel_loop3A_189  : i32 {
          %parallel_loop3A_272 = arith.constant 16 : i32
          %parallel_loop3A_273 = arith.muli %parallel_loop3A_271, %parallel_loop3A_272 : i32
          %parallel_loop3A_274 = arith.constant 0 : i32
          %parallel_loop3A_275 = arith.addi %parallel_loop3A_274, %parallel_loop3A_273 : i32
          %parallel_loop3A_276 = arith.index_cast %parallel_loop3A_275 : i32 to index
          %parallel_loop3A_277 = tpu.vector_load %arg7[%parallel_loop3A_276] {strides = array<i32>} : memref<6400xi32, #tpu.memory_space<vmem>>, vector<16xi32>,
          %parallel_loop3A_278 = tpu.vector_load_idx %arg6[%parallel_loop3A_277] : memref<100000xf32, #tpu.memory_space<vmem>>[vector<16xi32>], vector<16xf32>,
          %parallel_loop3A_279 = arith.constant 0 : i32
          %parallel_loop3A_280 = arith.addi %parallel_loop3A_279, %parallel_loop3A_273 : i32
          %parallel_loop3A_281 = arith.index_cast %parallel_loop3A_280 : i32 to index
          %parallel_loop3A_282 = tpu.vector_load %arg8[%parallel_loop3A_281] {strides = array<i32>} : memref<12800xf32, #tpu.memory_space<vmem>>, vector<16xf32>,
          tpu.vector_store %arg8[%parallel_loop3A_281], %parallel_loop3A_278 {strides = array<i32>} : memref<12800xf32, #tpu.memory_space<vmem>>, vector<16xf32>,
          %parallel_loop3A_283 = arith.constant 50000 : i32
          %parallel_loop3A_284 = vector.broadcast %parallel_loop3A_283 : i32 to vector<16xi32>
          %parallel_loop3A_285 = arith.addi %parallel_loop3A_277, %parallel_loop3A_284 : vector<16xi32>
          %parallel_loop3A_286 = tpu.vector_load_idx %arg6[%parallel_loop3A_285] : memref<100000xf32, #tpu.memory_space<vmem>>[vector<16xi32>], vector<16xf32>,
          %parallel_loop3A_287 = arith.constant 3200 : i32
          %parallel_loop3A_288 = arith.addi %parallel_loop3A_287, %parallel_loop3A_273 : i32
          %parallel_loop3A_289 = arith.index_cast %parallel_loop3A_288 : i32 to index
          %parallel_loop3A_290 = tpu.vector_load %arg8[%parallel_loop3A_289] {strides = array<i32>} : memref<12800xf32, #tpu.memory_space<vmem>>, vector<16xf32>,
          tpu.vector_store %arg8[%parallel_loop3A_289], %parallel_loop3A_286 {strides = array<i32>} : memref<12800xf32, #tpu.memory_space<vmem>>, vector<16xf32>,
        } {sc.loop_unroll_factor = 16 : i64, sc.parallel_access}
        %mul3A_190 = arith.constant 3200 : i32
        %mul3A_191 = arith.muli %add3A_172, %mul3A_190 : i32
        %add3A_192 = arith.constant 1 : i32
        %add3A_193 = arith.addi %mul3A_2, %add3A_192 : i32
        %dma_start3A_194 = arith.constant 0 : i32
        %dma_start3A_195 = tpu.memref_slice %arg8[%dma_start3A_194] : memref<12800xf32, #tpu.memory_space<vmem>> -> memref<3200xf32, #tpu.memory_space<vmem>>
        %dma_start3A_196 = tpu.memref_slice %arg5[%mul3A_2, %mul3A_191] : memref<64x800000xf32, #tpu.memory_space<hbm>> -> memref<1x3200xf32, #tpu.memory_space<hbm>>
        %dma_start3A_197 = tpu.memref_squeeze %dma_start3A_196 : memref<1x3200xf32, #tpu.memory_space<hbm>> -> memref<3200xf32, #tpu.memory_space<hbm>>
        %dma_start3A_198 = tpu.memref_slice %arg5[%mul3A_2, %mul3A_191] : memref<64x800000xf32, #tpu.memory_space<hbm>> -> memref<1x3200xf32, #tpu.memory_space<hbm>>
        %dma_start3A_199 = tpu.memref_squeeze %dma_start3A_198 : memref<1x3200xf32, #tpu.memory_space<hbm>> -> memref<3200xf32, #tpu.memory_space<hbm>>
        %dma_start3A_200 = arith.constant 0 : i32
        %dma_start3A_201 = tpu.memref_slice %arg8[%dma_start3A_200] : memref<12800xf32, #tpu.memory_space<vmem>> -> memref<3200xf32, #tpu.memory_space<vmem>>
        tpu.enqueue_dma source(%dma_start3A_201 : memref<3200xf32, #tpu.memory_space<vmem>>) target(%dma_start3A_199 : memref<3200xf32, #tpu.memory_space<hbm>>) target_semaphore(%arg12 : memref<!tpu.dma_semaphore, #tpu.memory_space<semaphore_mem>>)
        %dma_start3A_202 = arith.constant 3200 : i32
        %dma_start3A_203 = tpu.memref_slice %arg8[%dma_start3A_202] : memref<12800xf32, #tpu.memory_space<vmem>> -> memref<3200xf32, #tpu.memory_space<vmem>>
        %dma_start3A_204 = tpu.memref_slice %arg5[%add3A_193, %mul3A_191] : memref<64x800000xf32, #tpu.memory_space<hbm>> -> memref<1x3200xf32, #tpu.memory_space<hbm>>
        %dma_start3A_205 = tpu.memref_squeeze %dma_start3A_204 : memref<1x3200xf32, #tpu.memory_space<hbm>> -> memref<3200xf32, #tpu.memory_space<hbm>>
        %dma_start3A_206 = tpu.memref_slice %arg5[%add3A_193, %mul3A_191] : memref<64x800000xf32, #tpu.memory_space<hbm>> -> memref<1x3200xf32, #tpu.memory_space<hbm>>
        %dma_start3A_207 = tpu.memref_squeeze %dma_start3A_206 : memref<1x3200xf32, #tpu.memory_space<hbm>> -> memref<3200xf32, #tpu.memory_space<hbm>>
        %dma_start3A_208 = arith.constant 3200 : i32
        %dma_start3A_209 = tpu.memref_slice %arg8[%dma_start3A_208] : memref<12800xf32, #tpu.memory_space<vmem>> -> memref<3200xf32, #tpu.memory_space<vmem>>
        tpu.enqueue_dma source(%dma_start3A_209 : memref<3200xf32, #tpu.memory_space<vmem>>) target(%dma_start3A_207 : memref<3200xf32, #tpu.memory_space<hbm>>) target_semaphore(%arg12 : memref<!tpu.dma_semaphore, #tpu.memory_space<semaphore_mem>>)
        %add3A_210 = arith.constant 2 : i32
        %add3A_211 = arith.addi %add3A_169, %add3A_210 : i32
        %lt3A_212 = arith.constant 10 : i32
        %lt3A_213 = arith.cmpi slt, %add3A_211, %lt3A_212 : i32
        %convert_element_type3A_214 = arith.extui %lt3A_213 : i1 to i32
        %cond3A_215 = arith.constant 0 : i32
        %cond3A_216 = arith.cmpi ne, %convert_element_type3A_214, %cond3A_215 : i32
        scf.if %cond3A_216 {
          %add3A_271 = arith.constant 2 : i32
          %add3A_272 = arith.addi %add3A_169, %add3A_271 : i32
          %mul3A_273 = arith.constant 32000 : i32
          %mul3A_274 = arith.muli %rem3A_115, %mul3A_273 : i32
          %mul3A_275 = arith.constant 3200 : i32
          %mul3A_276 = arith.muli %add3A_272, %mul3A_275 : i32
          %add3A_277 = arith.addi %mul3A_274, %mul3A_276 : i32
          %dma_start3A_278 = arith.constant 0 : i32
          %dma_start3A_279 = tpu.memref_slice %arg7[%dma_start3A_278] : memref<6400xi32, #tpu.memory_space<vmem>> -> memref<3200xi32, #tpu.memory_space<vmem>>
          %dma_start3A_280 = tpu.memref_slice %arg9[%add3A_277] : memref<64000xi32, #tpu.memory_space<vmem_shared>> -> memref<3200xi32, #tpu.memory_space<vmem_shared>>
          %dma_start3A_281 = arith.constant 0 : i32
          %dma_start3A_282 = tpu.memref_slice %arg7[%dma_start3A_281] : memref<6400xi32, #tpu.memory_space<vmem>> -> memref<3200xi32, #tpu.memory_space<vmem>>
          %dma_start3A_283 = tpu.memref_slice %arg9[%add3A_277] : memref<64000xi32, #tpu.memory_space<vmem_shared>> -> memref<3200xi32, #tpu.memory_space<vmem_shared>>
          tpu.enqueue_dma source(%dma_start3A_283 : memref<3200xi32, #tpu.memory_space<vmem_shared>>) target(%dma_start3A_282 : memref<3200xi32, #tpu.memory_space<vmem>>) target_semaphore(%arg10 : memref<!tpu.dma_semaphore, #tpu.memory_space<semaphore_mem>>)
        } else {
        }
        %mul3A_217 = arith.constant 2 : i32
        %mul3A_218 = arith.muli %mul3A_217, %scan3A_164 : i32
        %add3A_219 = arith.constant 1 : i32
        %add3A_220 = arith.addi %mul3A_218, %add3A_219 : i32
        %mul3A_221 = arith.constant 10 : i32
        %mul3A_222 = arith.muli %scan3A_113, %mul3A_221 : i32
        %add3A_223 = arith.addi %mul3A_222, %add3A_220 : i32
        %mul3A_224 = arith.constant 32000 : i32
        %mul3A_225 = arith.muli %rem3A_115, %mul3A_224 : i32
        %mul3A_226 = arith.constant 3200 : i32
        %mul3A_227 = arith.muli %add3A_220, %mul3A_226 : i32
        %add3A_228 = arith.addi %mul3A_225, %mul3A_227 : i32
        %dma_wait3A_229 = arith.constant 3200 : i32
        %dma_wait3A_230 = tpu.memref_slice %arg7[%dma_wait3A_229] : memref<6400xi32, #tpu.memory_space<vmem>> -> memref<3200xi32, #tpu.memory_space<vmem>>
        %dma_wait3A_231 = tpu.memref_slice %arg9[%add3A_228] : memref<64000xi32, #tpu.memory_space<vmem_shared>> -> memref<3200xi32, #tpu.memory_space<vmem_shared>>
        %dma_wait3A_232 = arith.constant 3200 : i32
        %dma_wait3A_233 = tpu.memref_slice %arg7[%dma_wait3A_232] : memref<6400xi32, #tpu.memory_space<vmem>> -> memref<3200xi32, #tpu.memory_space<vmem>>
        %dma_wait3A_234 = tpu.memref_slice %arg9[%add3A_228] : memref<64000xi32, #tpu.memory_space<vmem_shared>> -> memref<3200xi32, #tpu.memory_space<vmem_shared>>
        tpu.wait_dma2 semaphore(%arg11 : memref<!tpu.dma_semaphore, #tpu.memory_space<semaphore_mem>>) src(%dma_wait3A_234 : memref<3200xi32, #tpu.memory_space<vmem_shared>>) dst(%dma_wait3A_233 : memref<3200xi32, #tpu.memory_space<vmem>>)
        %ge3A_235 = arith.constant 2 : i32
        %ge3A_236 = arith.cmpi sge, %add3A_223, %ge3A_235 : i32
        %convert_element_type3A_237 = arith.extui %ge3A_236 : i1 to i32
        %cond3A_238 = arith.constant 0 : i32
        %cond3A_239 = arith.cmpi ne, %convert_element_type3A_237, %cond3A_238 : i32
        scf.if %cond3A_239 {
          %sub3A_271 = arith.constant 2 : i32
          %sub3A_272 = arith.subi %add3A_223, %sub3A_271 : i32
          %mul3A_273 = arith.constant 3200 : i32
          %mul3A_274 = arith.muli %sub3A_272, %mul3A_273 : i32
          %add3A_275 = arith.constant 1 : i32
          %add3A_276 = arith.addi %mul3A_2, %add3A_275 : i32
          %dma_wait3A_277 = arith.constant 6400 : i32
          %dma_wait3A_278 = tpu.memref_slice %arg8[%dma_wait3A_277] : memref<12800xf32, #tpu.memory_space<vmem>> -> memref<3200xf32, #tpu.memory_space<vmem>>
          %dma_wait3A_279 = tpu.memref_slice %arg5[%mul3A_2, %mul3A_274] : memref<64x800000xf32, #tpu.memory_space<hbm>> -> memref<1x3200xf32, #tpu.memory_space<hbm>>
          %dma_wait3A_280 = tpu.memref_squeeze %dma_wait3A_279 : memref<1x3200xf32, #tpu.memory_space<hbm>> -> memref<3200xf32, #tpu.memory_space<hbm>>
          %dma_wait3A_281 = tpu.memref_slice %arg5[%mul3A_2, %mul3A_274] : memref<64x800000xf32, #tpu.memory_space<hbm>> -> memref<1x3200xf32, #tpu.memory_space<hbm>>
          %dma_wait3A_282 = tpu.memref_squeeze %dma_wait3A_281 : memref<1x3200xf32, #tpu.memory_space<hbm>> -> memref<3200xf32, #tpu.memory_space<hbm>>
          %dma_wait3A_283 = arith.constant 6400 : i32
          %dma_wait3A_284 = tpu.memref_slice %arg8[%dma_wait3A_283] : memref<12800xf32, #tpu.memory_space<vmem>> -> memref<3200xf32, #tpu.memory_space<vmem>>
          tpu.wait_dma2 semaphore(%arg13 : memref<!tpu.dma_semaphore, #tpu.memory_space<semaphore_mem>>) src(%dma_wait3A_284 : memref<3200xf32, #tpu.memory_space<vmem>>) dst(%dma_wait3A_282 : memref<3200xf32, #tpu.memory_space<hbm>>)
          %dma_wait3A_285 = arith.constant 9600 : i32
          %dma_wait3A_286 = tpu.memref_slice %arg8[%dma_wait3A_285] : memref<12800xf32, #tpu.memory_space<vmem>> -> memref<3200xf32, #tpu.memory_space<vmem>>
          %dma_wait3A_287 = tpu.memref_slice %arg5[%add3A_276, %mul3A_274] : memref<64x800000xf32, #tpu.memory_space<hbm>> -> memref<1x3200xf32, #tpu.memory_space<hbm>>
          %dma_wait3A_288 = tpu.memref_squeeze %dma_wait3A_287 : memref<1x3200xf32, #tpu.memory_space<hbm>> -> memref<3200xf32, #tpu.memory_space<hbm>>
          %dma_wait3A_289 = tpu.memref_slice %arg5[%add3A_276, %mul3A_274] : memref<64x800000xf32, #tpu.memory_space<hbm>> -> memref<1x3200xf32, #tpu.memory_space<hbm>>
          %dma_wait3A_290 = tpu.memref_squeeze %dma_wait3A_289 : memref<1x3200xf32, #tpu.memory_space<hbm>> -> memref<3200xf32, #tpu.memory_space<hbm>>
          %dma_wait3A_291 = arith.constant 9600 : i32
          %dma_wait3A_292 = tpu.memref_slice %arg8[%dma_wait3A_291] : memref<12800xf32, #tpu.memory_space<vmem>> -> memref<3200xf32, #tpu.memory_space<vmem>>
          tpu.wait_dma2 semaphore(%arg13 : memref<!tpu.dma_semaphore, #tpu.memory_space<semaphore_mem>>) src(%dma_wait3A_292 : memref<3200xf32, #tpu.memory_space<vmem>>) dst(%dma_wait3A_290 : memref<3200xf32, #tpu.memory_space<hbm>>)
        } else {
        }
        %parallel_loop3A_240 = arith.constant 0 : i32
        %parallel_loop3A_241 = arith.constant 200 : i32
        %parallel_loop3A_242 = arith.constant 1 : i32
        scf.for %parallel_loop3A_271 = %parallel_loop3A_240 to %parallel_loop3A_241 step %parallel_loop3A_242  : i32 {
          %parallel_loop3A_272 = arith.constant 16 : i32
          %parallel_loop3A_273 = arith.muli %parallel_loop3A_271, %parallel_loop3A_272 : i32
          %parallel_loop3A_274 = arith.constant 3200 : i32
          %parallel_loop3A_275 = arith.addi %parallel_loop3A_274, %parallel_loop3A_273 : i32
          %parallel_loop3A_276 = arith.index_cast %parallel_loop3A_275 : i32 to index
          %parallel_loop3A_277 = tpu.vector_load %arg7[%parallel_loop3A_276] {strides = array<i32>} : memref<6400xi32, #tpu.memory_space<vmem>>, vector<16xi32>,
          %parallel_loop3A_278 = tpu.vector_load_idx %arg6[%parallel_loop3A_277] : memref<100000xf32, #tpu.memory_space<vmem>>[vector<16xi32>], vector<16xf32>,
          %parallel_loop3A_279 = arith.constant 6400 : i32
          %parallel_loop3A_280 = arith.addi %parallel_loop3A_279, %parallel_loop3A_273 : i32
          %parallel_loop3A_281 = arith.index_cast %parallel_loop3A_280 : i32 to index
          %parallel_loop3A_282 = tpu.vector_load %arg8[%parallel_loop3A_281] {strides = array<i32>} : memref<12800xf32, #tpu.memory_space<vmem>>, vector<16xf32>,
          tpu.vector_store %arg8[%parallel_loop3A_281], %parallel_loop3A_278 {strides = array<i32>} : memref<12800xf32, #tpu.memory_space<vmem>>, vector<16xf32>,
          %parallel_loop3A_283 = arith.constant 50000 : i32
          %parallel_loop3A_284 = vector.broadcast %parallel_loop3A_283 : i32 to vector<16xi32>
          %parallel_loop3A_285 = arith.addi %parallel_loop3A_277, %parallel_loop3A_284 : vector<16xi32>
          %parallel_loop3A_286 = tpu.vector_load_idx %arg6[%parallel_loop3A_285] : memref<100000xf32, #tpu.memory_space<vmem>>[vector<16xi32>], vector<16xf32>,
          %parallel_loop3A_287 = arith.constant 9600 : i32
          %parallel_loop3A_288 = arith.addi %parallel_loop3A_287, %parallel_loop3A_273 : i32
          %parallel_loop3A_289 = arith.index_cast %parallel_loop3A_288 : i32 to index
          %parallel_loop3A_290 = tpu.vector_load %arg8[%parallel_loop3A_289] {strides = array<i32>} : memref<12800xf32, #tpu.memory_space<vmem>>, vector<16xf32>,
          tpu.vector_store %arg8[%parallel_loop3A_289], %parallel_loop3A_286 {strides = array<i32>} : memref<12800xf32, #tpu.memory_space<vmem>>, vector<16xf32>,
        } {sc.loop_unroll_factor = 16 : i64, sc.parallel_access}
        %mul3A_243 = arith.constant 3200 : i32
        %mul3A_244 = arith.muli %add3A_223, %mul3A_243 : i32
        %add3A_245 = arith.constant 1 : i32
        %add3A_246 = arith.addi %mul3A_2, %add3A_245 : i32
        %dma_start3A_247 = arith.constant 6400 : i32
        %dma_start3A_248 = tpu.memref_slice %arg8[%dma_start3A_247] : memref<12800xf32, #tpu.memory_space<vmem>> -> memref<3200xf32, #tpu.memory_space<vmem>>
        %dma_start3A_249 = tpu.memref_slice %arg5[%mul3A_2, %mul3A_244] : memref<64x800000xf32, #tpu.memory_space<hbm>> -> memref<1x3200xf32, #tpu.memory_space<hbm>>
        %dma_start3A_250 = tpu.memref_squeeze %dma_start3A_249 : memref<1x3200xf32, #tpu.memory_space<hbm>> -> memref<3200xf32, #tpu.memory_space<hbm>>
        %dma_start3A_251 = tpu.memref_slice %arg5[%mul3A_2, %mul3A_244] : memref<64x800000xf32, #tpu.memory_space<hbm>> -> memref<1x3200xf32, #tpu.memory_space<hbm>>
        %dma_start3A_252 = tpu.memref_squeeze %dma_start3A_251 : memref<1x3200xf32, #tpu.memory_space<hbm>> -> memref<3200xf32, #tpu.memory_space<hbm>>
        %dma_start3A_253 = arith.constant 6400 : i32
        %dma_start3A_254 = tpu.memref_slice %arg8[%dma_start3A_253] : memref<12800xf32, #tpu.memory_space<vmem>> -> memref<3200xf32, #tpu.memory_space<vmem>>
        tpu.enqueue_dma source(%dma_start3A_254 : memref<3200xf32, #tpu.memory_space<vmem>>) target(%dma_start3A_252 : memref<3200xf32, #tpu.memory_space<hbm>>) target_semaphore(%arg13 : memref<!tpu.dma_semaphore, #tpu.memory_space<semaphore_mem>>)
        %dma_start3A_255 = arith.constant 9600 : i32
        %dma_start3A_256 = tpu.memref_slice %arg8[%dma_start3A_255] : memref<12800xf32, #tpu.memory_space<vmem>> -> memref<3200xf32, #tpu.memory_space<vmem>>
        %dma_start3A_257 = tpu.memref_slice %arg5[%add3A_246, %mul3A_244] : memref<64x800000xf32, #tpu.memory_space<hbm>> -> memref<1x3200xf32, #tpu.memory_space<hbm>>
        %dma_start3A_258 = tpu.memref_squeeze %dma_start3A_257 : memref<1x3200xf32, #tpu.memory_space<hbm>> -> memref<3200xf32, #tpu.memory_space<hbm>>
        %dma_start3A_259 = tpu.memref_slice %arg5[%add3A_246, %mul3A_244] : memref<64x800000xf32, #tpu.memory_space<hbm>> -> memref<1x3200xf32, #tpu.memory_space<hbm>>
        %dma_start3A_260 = tpu.memref_squeeze %dma_start3A_259 : memref<1x3200xf32, #tpu.memory_space<hbm>> -> memref<3200xf32, #tpu.memory_space<hbm>>
        %dma_start3A_261 = arith.constant 9600 : i32
        %dma_start3A_262 = tpu.memref_slice %arg8[%dma_start3A_261] : memref<12800xf32, #tpu.memory_space<vmem>> -> memref<3200xf32, #tpu.memory_space<vmem>>
        tpu.enqueue_dma source(%dma_start3A_262 : memref<3200xf32, #tpu.memory_space<vmem>>) target(%dma_start3A_260 : memref<3200xf32, #tpu.memory_space<hbm>>) target_semaphore(%arg13 : memref<!tpu.dma_semaphore, #tpu.memory_space<semaphore_mem>>)
        %add3A_263 = arith.constant 2 : i32
        %add3A_264 = arith.addi %add3A_220, %add3A_263 : i32
        %lt3A_265 = arith.constant 10 : i32
        %lt3A_266 = arith.cmpi slt, %add3A_264, %lt3A_265 : i32
        %convert_element_type3A_267 = arith.extui %lt3A_266 : i1 to i32
        %cond3A_268 = arith.constant 0 : i32
        %cond3A_269 = arith.cmpi ne, %convert_element_type3A_267, %cond3A_268 : i32
        scf.if %cond3A_269 {
          %add3A_271 = arith.constant 2 : i32
          %add3A_272 = arith.addi %add3A_220, %add3A_271 : i32
          %mul3A_273 = arith.constant 32000 : i32
          %mul3A_274 = arith.muli %rem3A_115, %mul3A_273 : i32
          %mul3A_275 = arith.constant 3200 : i32
          %mul3A_276 = arith.muli %add3A_272, %mul3A_275 : i32
          %add3A_277 = arith.addi %mul3A_274, %mul3A_276 : i32
          %dma_start3A_278 = arith.constant 3200 : i32
          %dma_start3A_279 = tpu.memref_slice %arg7[%dma_start3A_278] : memref<6400xi32, #tpu.memory_space<vmem>> -> memref<3200xi32, #tpu.memory_space<vmem>>
          %dma_start3A_280 = tpu.memref_slice %arg9[%add3A_277] : memref<64000xi32, #tpu.memory_space<vmem_shared>> -> memref<3200xi32, #tpu.memory_space<vmem_shared>>
          %dma_start3A_281 = arith.constant 3200 : i32
          %dma_start3A_282 = tpu.memref_slice %arg7[%dma_start3A_281] : memref<6400xi32, #tpu.memory_space<vmem>> -> memref<3200xi32, #tpu.memory_space<vmem>>
          %dma_start3A_283 = tpu.memref_slice %arg9[%add3A_277] : memref<64000xi32, #tpu.memory_space<vmem_shared>> -> memref<3200xi32, #tpu.memory_space<vmem_shared>>
          tpu.enqueue_dma source(%dma_start3A_283 : memref<3200xi32, #tpu.memory_space<vmem_shared>>) target(%dma_start3A_282 : memref<3200xi32, #tpu.memory_space<vmem>>) target_semaphore(%arg11 : memref<!tpu.dma_semaphore, #tpu.memory_space<semaphore_mem>>)
        } else {
        }
        %scan3A_270 = arith.constant 0 : i32
        scf.yield %scan3A_270 : i32
      }
      %scan3A_151 = arith.constant 5 : i32
      %eq3A_152 = arith.constant 0 : i32
      %eq3A_153 = arith.cmpi eq, %arg1, %eq3A_152 : i32
      %add3A_154 = arith.constant 1 : i32
      %add3A_155 = arith.addi %scan3A_113, %add3A_154 : i32
      %lt3A_156 = arith.constant 25 : i32
      %lt3A_157 = arith.cmpi slt, %add3A_155, %lt3A_156 : i32
      %and3A_158 = arith.andi %eq3A_153, %lt3A_157 : i1
      %convert_element_type3A_159 = arith.extui %and3A_158 : i1 to i32
      %cond3A_160 = arith.constant 0 : i32
      %cond3A_161 = arith.cmpi ne, %convert_element_type3A_159, %cond3A_160 : i32
      scf.if %cond3A_161 {
        %add3A_164 = arith.constant 1 : i32
        %add3A_165 = arith.addi %scan3A_113, %add3A_164 : i32
        %mul3A_166 = arith.constant 32000 : i32
        %mul3A_167 = arith.muli %add3A_165, %mul3A_166 : i32
        %mul3A_168 = arith.constant 32000 : i32
        %mul3A_169 = arith.muli %sub3A_116, %mul3A_168 : i32
        %dma_wait3A_170 = tpu.memref_slice %arg9[%mul3A_169] : memref<64000xi32, #tpu.memory_space<vmem_shared>> -> memref<32000xi32, #tpu.memory_space<vmem_shared>>
        %dma_wait3A_171 = tpu.memref_slice %arg4[%mul3A_167] : memref<800000xi32, #tpu.memory_space<hbm>> -> memref<32000xi32, #tpu.memory_space<hbm>>
        tpu.wait_dma2 semaphore(%arg14 : memref<!tpu.dma_semaphore, #tpu.memory_space<semaphore_mem>>) src(%dma_wait3A_171 : memref<32000xi32, #tpu.memory_space<hbm>>) dst(%dma_wait3A_170 : memref<32000xi32, #tpu.memory_space<vmem_shared>>)
      } else {
      }
      %barrier3A_162 = arith.constant 0 : index
      tpu.barrier barrier_id(%barrier3A_162)
      %scan3A_163 = arith.constant 0 : i32
      scf.yield %scan3A_163 : i32
    }
    %scan3A_68 = arith.constant 25 : i32
    %add3A_69 = arith.constant 1 : i32
    %add3A_70 = arith.addi %mul3A_2, %add3A_69 : i32
    %dma_wait3A_71 = arith.constant 0 : i32
    %dma_wait3A_72 = tpu.memref_slice %arg8[%dma_wait3A_71] : memref<12800xf32, #tpu.memory_space<vmem>> -> memref<3200xf32, #tpu.memory_space<vmem>>
    %dma_wait3A_73 = arith.constant 793600 : i32
    %dma_wait3A_74 = tpu.memref_slice %arg5[%mul3A_2, %dma_wait3A_73] : memref<64x800000xf32, #tpu.memory_space<hbm>> -> memref<1x3200xf32, #tpu.memory_space<hbm>>
    %dma_wait3A_75 = tpu.memref_squeeze %dma_wait3A_74 : memref<1x3200xf32, #tpu.memory_space<hbm>> -> memref<3200xf32, #tpu.memory_space<hbm>>
    %dma_wait3A_76 = arith.constant 793600 : i32
    %dma_wait3A_77 = tpu.memref_slice %arg5[%mul3A_2, %dma_wait3A_76] : memref<64x800000xf32, #tpu.memory_space<hbm>> -> memref<1x3200xf32, #tpu.memory_space<hbm>>
    %dma_wait3A_78 = tpu.memref_squeeze %dma_wait3A_77 : memref<1x3200xf32, #tpu.memory_space<hbm>> -> memref<3200xf32, #tpu.memory_space<hbm>>
    %dma_wait3A_79 = arith.constant 0 : i32
    %dma_wait3A_80 = tpu.memref_slice %arg8[%dma_wait3A_79] : memref<12800xf32, #tpu.memory_space<vmem>> -> memref<3200xf32, #tpu.memory_space<vmem>>
    tpu.wait_dma2 semaphore(%arg12 : memref<!tpu.dma_semaphore, #tpu.memory_space<semaphore_mem>>) src(%dma_wait3A_80 : memref<3200xf32, #tpu.memory_space<vmem>>) dst(%dma_wait3A_78 : memref<3200xf32, #tpu.memory_space<hbm>>)
    %dma_wait3A_81 = arith.constant 3200 : i32
    %dma_wait3A_82 = tpu.memref_slice %arg8[%dma_wait3A_81] : memref<12800xf32, #tpu.memory_space<vmem>> -> memref<3200xf32, #tpu.memory_space<vmem>>
    %dma_wait3A_83 = arith.constant 793600 : i32
    %dma_wait3A_84 = tpu.memref_slice %arg5[%add3A_70, %dma_wait3A_83] : memref<64x800000xf32, #tpu.memory_space<hbm>> -> memref<1x3200xf32, #tpu.memory_space<hbm>>
    %dma_wait3A_85 = tpu.memref_squeeze %dma_wait3A_84 : memref<1x3200xf32, #tpu.memory_space<hbm>> -> memref<3200xf32, #tpu.memory_space<hbm>>
    %dma_wait3A_86 = arith.constant 793600 : i32
    %dma_wait3A_87 = tpu.memref_slice %arg5[%add3A_70, %dma_wait3A_86] : memref<64x800000xf32, #tpu.memory_space<hbm>> -> memref<1x3200xf32, #tpu.memory_space<hbm>>
    %dma_wait3A_88 = tpu.memref_squeeze %dma_wait3A_87 : memref<1x3200xf32, #tpu.memory_space<hbm>> -> memref<3200xf32, #tpu.memory_space<hbm>>
    %dma_wait3A_89 = arith.constant 3200 : i32
    %dma_wait3A_90 = tpu.memref_slice %arg8[%dma_wait3A_89] : memref<12800xf32, #tpu.memory_space<vmem>> -> memref<3200xf32, #tpu.memory_space<vmem>>
    tpu.wait_dma2 semaphore(%arg12 : memref<!tpu.dma_semaphore, #tpu.memory_space<semaphore_mem>>) src(%dma_wait3A_90 : memref<3200xf32, #tpu.memory_space<vmem>>) dst(%dma_wait3A_88 : memref<3200xf32, #tpu.memory_space<hbm>>)
    %add3A_91 = arith.constant 1 : i32
    %add3A_92 = arith.addi %mul3A_2, %add3A_91 : i32
    %dma_wait3A_93 = arith.constant 6400 : i32
    %dma_wait3A_94 = tpu.memref_slice %arg8[%dma_wait3A_93] : memref<12800xf32, #tpu.memory_space<vmem>> -> memref<3200xf32, #tpu.memory_space<vmem>>
    %dma_wait3A_95 = arith.constant 796800 : i32
    %dma_wait3A_96 = tpu.memref_slice %arg5[%mul3A_2, %dma_wait3A_95] : memref<64x800000xf32, #tpu.memory_space<hbm>> -> memref<1x3200xf32, #tpu.memory_space<hbm>>
    %dma_wait3A_97 = tpu.memref_squeeze %dma_wait3A_96 : memref<1x3200xf32, #tpu.memory_space<hbm>> -> memref<3200xf32, #tpu.memory_space<hbm>>
    %dma_wait3A_98 = arith.constant 796800 : i32
    %dma_wait3A_99 = tpu.memref_slice %arg5[%mul3A_2, %dma_wait3A_98] : memref<64x800000xf32, #tpu.memory_space<hbm>> -> memref<1x3200xf32, #tpu.memory_space<hbm>>
    %dma_wait3A_100 = tpu.memref_squeeze %dma_wait3A_99 : memref<1x3200xf32, #tpu.memory_space<hbm>> -> memref<3200xf32, #tpu.memory_space<hbm>>
    %dma_wait3A_101 = arith.constant 6400 : i32
    %dma_wait3A_102 = tpu.memref_slice %arg8[%dma_wait3A_101] : memref<12800xf32, #tpu.memory_space<vmem>> -> memref<3200xf32, #tpu.memory_space<vmem>>
    tpu.wait_dma2 semaphore(%arg13 : memref<!tpu.dma_semaphore, #tpu.memory_space<semaphore_mem>>) src(%dma_wait3A_102 : memref<3200xf32, #tpu.memory_space<vmem>>) dst(%dma_wait3A_100 : memref<3200xf32, #tpu.memory_space<hbm>>)
    %dma_wait3A_103 = arith.constant 9600 : i32
    %dma_wait3A_104 = tpu.memref_slice %arg8[%dma_wait3A_103] : memref<12800xf32, #tpu.memory_space<vmem>> -> memref<3200xf32, #tpu.memory_space<vmem>>
    %dma_wait3A_105 = arith.constant 796800 : i32
    %dma_wait3A_106 = tpu.memref_slice %arg5[%add3A_92, %dma_wait3A_105] : memref<64x800000xf32, #tpu.memory_space<hbm>> -> memref<1x3200xf32, #tpu.memory_space<hbm>>
    %dma_wait3A_107 = tpu.memref_squeeze %dma_wait3A_106 : memref<1x3200xf32, #tpu.memory_space<hbm>> -> memref<3200xf32, #tpu.memory_space<hbm>>
    %dma_wait3A_108 = arith.constant 796800 : i32
    %dma_wait3A_109 = tpu.memref_slice %arg5[%add3A_92, %dma_wait3A_108] : memref<64x800000xf32, #tpu.memory_space<hbm>> -> memref<1x3200xf32, #tpu.memory_space<hbm>>
    %dma_wait3A_110 = tpu.memref_squeeze %dma_wait3A_109 : memref<1x3200xf32, #tpu.memory_space<hbm>> -> memref<3200xf32, #tpu.memory_space<hbm>>
    %dma_wait3A_111 = arith.constant 9600 : i32
    %dma_wait3A_112 = tpu.memref_slice %arg8[%dma_wait3A_111] : memref<12800xf32, #tpu.memory_space<vmem>> -> memref<3200xf32, #tpu.memory_space<vmem>>
    tpu.wait_dma2 semaphore(%arg13 : memref<!tpu.dma_semaphore, #tpu.memory_space<semaphore_mem>>) src(%dma_wait3A_112 : memref<3200xf32, #tpu.memory_space<vmem>>) dst(%dma_wait3A_110 : memref<3200xf32, #tpu.memory_space<hbm>>)
    return
  }
}

</mosaic_0001>

<sc_bundles>
// kernel: _run.3.cloned.1.call-start
scs
__scs_entry_jumppad:
0x0: {  	(pc) =	sbr.rel $0x88, $3  }
0x1: {  	(tag) =	ssettag $0x0;
	lr =	simm.s32 $0x1  }
0x2: {  	[smem:$0x3F9E] =	sst lr;
	_ =	strace $0xD0000000  }
0x3: {  	_ = 	snop  }
0x4: {  	_ = 	snop  }
0x5: {  	_ = 	snop  }
0x6: {  	_ = 	snop  }
0x7: {  	_ = 	snop  }
__scs_overlays_trampoline_lowered:
0x8: {  	[smem:$0x3FAD] =	sst s0  }
0x9: {  	[smem:$0x3FAE] =	sst s1  }
0xa: {  	[smem:$0x3FAF] =	sst s2  }
0xb: {  	[smem:$0x3FB0] =	sst s3  }
0xc: {  	[smem:$0x3FB1] =	sst s4  }
0xd: {  	[smem:$0x3FB2] =	sst s5  }
0xe: {  	[smem:$0x3FB3] =	sst s6  }
0xf: {  	[smem:$0x3FB4] =	sst s7  }
0x10: {  	[smem:$0x3FB5] =	sst s8  }
0x11: {  	[smem:$0x3FB6] =	sst s9;
	s0 =	simm.s32 @!p0 $0x0  }
0x12: {  	s1 =	sld [smem:$0x3F9C];
	s0 =	simm.s32 @p0 $0x1  }
0x13: {  	[smem:$0x3FB7] =	sst s0;
	s0 =	simm.s32 @!p1 $0x0  }
0x14: {  	s2 =	sld [smem:$0x3F9B];
	s0 =	simm.s32 @p1 $0x1  }
0x15: {  	[smem:$0x3FB8] =	sst s0;
	s0 =	simm.s32 @!p2 $0x0  }
0x16: {  	s3 =	sld [smem:$0x3FDB];
	s0 =	simm.s32 @p2 $0x1  }
0x17: {  	s4 =	simm.s32 $0x1BF5;
	[smem:$0x3FBA] =	sst s0  }
0x18: {  	s0 =	sld [smem:$0x3F9D];
	_ =	swait.ge [sflag:s4], $0x0  }
0x19: {  	s7 =	sld [smem:$0x3F9E]  }
0x1a: {  	s8 =	sadd.s32 $0xFFFFE003, lr  }
0x1b: {  	s9 =	sadd.s32 $0xFFFFFEF7, lr;
	s5 =	simm.s32 $0xFFFFFFFF;
	p2 =	slt.u32 s8, $0xFFFFF086  }
0x1c: {  	p1 =	slt.u32 s9, $0xF7A;
	s5 =	simm.s32 @!p2 $0x0  }
0x1d: {  	s5 =	simm.s32 @p1 $0x1;
	p0 =	seq.s32 s7, s2  }
0x1e: {  	s7 =	smul.u32 @!p0 $0xF7A, s2;
	p2 =	seq.s32 @!p0 s5, $0x0  }
0x1f: {  	s9 =	smul.u32 $0xF7A, s1;
	s8 =	simm.s32 @!p0 $0x1BF5;
	p2 =	por !p2, p0  }
0x20: {  	[sflag:s8] =	ssyncset.s32 @!p0 $0xFFFFF086;
	s6 =	sadd.s32 @!p0 s3, s7;
	s7 =	simm.s32 @!p0 $0x108  }
0x21: {  	s3 =	sadd.s32 s3, s9;
	s6 =	sadd.s32 @!p0 $0x88, s6;
	s7 =	simm.s32 @p2 $0x1082  }
0x22: {  	[simem:s7], [sflag:s8] =	dma.local @!p0 [hbm:s6], $0xF7A  }
0x23: {  	s9 =	sor.u32 $0xD0000000, s2;
	s6 =	simm.s32 $0x108;
	_ =	swait.ge @!p0 [sflag:s8], $0x0  }
0x24: {  	s3 =	sadd.s32 $0x88, s3;
	s6 =	simm.s32 @!p1 $0x1082;
	[sflag:s4] =	ssyncset.s32 $0xFFFFF086  }
0x25: {  	[simem:s6], [sflag:s4] =	dma.local [hbm:s3], $0xF7A  }
0x26: {  	[smem:$0x3F9E] =	sst s1;
	(tag) =	ssettag s2;
	_ =	strace s9  }
0x27: {  	s1 =	sld [smem:$0x3FAE]  }
0x28: {  	s2 =	sld [smem:$0x3FAF]  }
0x29: {  	s4 =	sld [smem:$0x3FB1]  }
0x2a: {  	p0 =	seq.s32 s5, $0x0;
	s5 =	sld [smem:$0x3FB2]  }
0x2b: {  	s6 =	sld [smem:$0x3FB3]  }
0x2c: {  	s7 =	sld [smem:$0x3FB4]  }
0x2d: {  	s3 =	simm.s32 $0x108;
	s8 =	sld [smem:$0x3FB5]  }
0x2e: {  	s3 =	simm.s32 @!p0 $0x1082;
	s9 =	sld [smem:$0x3FB6]  }
0x2f: {  	lr =	sadd.s32 s0, s3;
	s0 =	sld [smem:$0x3FAD]  }
0x30: {  	s3 =	sld [smem:$0x3FB0]  }
0x31: {  	[smem:$0x3FB9] =	sst s10  }
0x32: {  	s10 =	sld [smem:$0x3FB7];
	_ =	sdelay $0x3  }
0x33: {  	p0 =	seq.s32 s10, $0x1;
	s10 =	sld [smem:$0x3FB9];
	_ =	sdelay $0x3  }
0x34: {  	[smem:$0x3FB9] =	sst s10  }
0x35: {  	s10 =	sld [smem:$0x3FB8];
	_ =	sdelay $0x3  }
0x36: {  	p1 =	seq.s32 s10, $0x1;
	s10 =	sld [smem:$0x3FB9];
	_ =	sdelay $0x3  }
0x37: {  	[smem:$0x3FB9] =	sst s10  }
0x38: {  	s10 =	sld [smem:$0x3FBA]  }
0x39: {  	_ = 	snop;
	(pc) =	sbr.ind lr, $3  }
0x3a: {  	_ = 	snop  }
0x3b: {  	_ = 	snop  }
0x3c: {  	p2 =	seq.s32 s10, $0x1;
	s10 =	sld [smem:$0x3FB9]  }
0x3d: {  	_ =	shalt  }
0x3e: {  	_ =	shalt  }
0x3f: {  	_ =	shalt  }
0x40: {  	_ =	shalt  }
0x41: {  	_ =	shalt  }
0x42: {  	_ =	shalt  }
0x43: {  	_ =	shalt  }
0x44: {  	_ =	shalt  }
0x45: {  	_ =	shalt  }
0x46: {  	_ =	shalt  }
0x47: {  	_ =	shalt  }
0x48: {  	_ =	shalt  }
0x49: {  	_ =	shalt  }
0x4a: {  	_ =	shalt  }
0x4b: {  	_ =	shalt  }
0x4c: {  	_ =	shalt  }
0x4d: {  	_ =	shalt  }
0x4e: {  	_ =	shalt  }
0x4f: {  	_ =	shalt  }
0x50: {  	_ =	shalt  }
0x51: {  	_ =	shalt  }
0x52: {  	_ =	shalt  }
0x53: {  	_ =	shalt  }
0x54: {  	_ =	shalt  }
0x55: {  	_ =	shalt  }
0x56: {  	_ =	shalt  }
0x57: {  	_ =	shalt  }
0x58: {  	_ =	shalt  }
0x59: {  	_ =	shalt  }
0x5a: {  	_ =	shalt  }
0x5b: {  	_ =	shalt  }
0x5c: {  	_ =	shalt  }
0x5d: {  	_ =	shalt  }
0x5e: {  	_ =	shalt  }
0x5f: {  	_ =	shalt  }
0x60: {  	_ =	shalt  }
0x61: {  	_ =	shalt  }
0x62: {  	_ =	shalt  }
0x63: {  	_ =	shalt  }
0x64: {  	_ =	shalt  }
0x65: {  	_ =	shalt  }
0x66: {  	_ =	shalt  }
0x67: {  	_ =	shalt  }
0x68: {  	_ =	shalt  }
0x69: {  	_ =	shalt  }
0x6a: {  	_ =	shalt  }
0x6b: {  	_ =	shalt  }
0x6c: {  	_ =	shalt  }
0x6d: {  	_ =	shalt  }
0x6e: {  	_ =	shalt  }
0x6f: {  	_ =	shalt  }
0x70: {  	_ =	shalt  }
0x71: {  	_ =	shalt  }
0x72: {  	_ =	shalt  }
0x73: {  	_ =	shalt  }
0x74: {  	_ =	shalt  }
0x75: {  	_ =	shalt  }
0x76: {  	_ =	shalt  }
0x77: {  	_ =	shalt  }
0x78: {  	_ =	shalt  }
0x79: {  	_ =	shalt  }
0x7a: {  	_ =	shalt  }
0x7b: {  	_ =	shalt  }
0x7c: {  	_ =	shalt  }
0x7d: {  	_ =	shalt  }
0x7e: {  	_ =	shalt  }
0x7f: {  	_ =	shalt  }
0x80: {  	_ =	shalt  }
0x81: {  	_ =	shalt  }
0x82: {  	_ =	shalt  }
0x83: {  	_ =	shalt  }
0x84: {  	_ =	shalt  }
0x85: {  	_ =	shalt  }
0x86: {  	_ =	shalt  }
0x87: {  	_ =	shalt  }
.Lfunc_end0:
.L_simem_size_0:
called_computation_lowered:
.L_overlay_start_0:
0x88: {  	s2 =	sld [smem:$0x3FD9]  }
0x89: {  	s3 =	sld [smem:$0x3FFE];
	_ =	sdelay $0x1  }
0x8a: {  	s1 =	srdreg.scid  }
0x8b: {  	s0 =	sand.u32 $0x1, s1  }
0x8c: {  	s17 =	sshll.u32 s0, $0xA;
	s2 =	sadd.s32 s3, s2  }
0x8d: {  	s2 =	sadd.s32 s2, s17  }
0x8e: {  	[smem:$0x3FC5] =	sst s2  }
0x8f: {  	_ = 	snop  }
0x90: {  	s2 =	sld [smem:$0x3FC7]  }
0x91: {  	s18 =	sld [smem:$0x3FD0];
	(tm) =	ssettm $0x1  }
0x92: {  	s4 =	sld [smem:$0x3FFB];
	_ =	sdelay $0x3  }
0x93: {  	_ =	strace s4  }
0x94: {  	s4 =	sld [smem:$0x3FFC];
	_ =	sdelay $0x3  }
0x95: {  	_ =	strace s4  }
0x96: {  	s4 =	sld [smem:$0x3FFD];
	_ =	sdelay $0x3  }
0x97: {  	_ =	strace s4  }
0x98: {  	_ =	strace $0x8FFFFFFF  }
0x99: {  	s19 =	sld [smem:$0x3FDB];
	_ =	sdelay $0x1  }
0x9a: {  	s5 =	simm.s32 $_scs_section_size  }
0x9b: {  	s6 =	simm.s32 $_size__tile_overlayer_lowered;
	s7 =	simm.s32 $_tile_overlayer_lowered  }
0x9c: {  	s22 =	simm.s32 $0x1BFF;
	s21 =	sshll.u32 s7, $0x1;
	s4 =	sadd.s32 s5, s19  }
0x9d: {  	s8 =	simm.s32 $0x0;
	s20 =	sshll.u32 s6, $0x1;
	s6 =	sadd.s32 s21, s4  }
0x9e: {  	[timem:s8], [sflag:s22] =	dma.local [hbm:s6], s20  }
0x9f: {  	_ =	swait.ge [sflag:s22], s20  }
0xa0: {  	s5 =	ssub.s32 $0x0, s20;
	[sflag:s22] =	ssyncset.done $0x0  }
0xa1: {  	[sflag:s22] =	ssyncadd.s32 s5;
	_ =	sdelay $0x1  }
0xa2: {  	s23 =	simm.s32 $0x1B8B  }
0xa3: {  	_ =	swait.ge [sflag:s23], $0x1  }
0xa4: {  	[sflag:s23] =	ssyncset.done $0x0  }
0xa5: {  	s25 =	simm.s32 $0x1B8E;
	s24 =	sld [smem:$0x3FFE];
	[sflag:s23] =	ssyncadd.s32 $0xFFFFFFFF  }
0xa6: {  	s26 =	simm.s32 $execute0_lowered;
	[smem:$0x3FD2] =	sst s25  }
0xa7: {  	s6 =	sshll.u32 s26, $0x1;
	_ =	strace $0x80000046;
	[dreg:$0x1] =	wrdreg $0xFFFFFFFF  }
0xa8: {  	s28 =	simm.s32 $_size_execute0_lowered;
	s4 =	sadd.s32 s4, s6;
	[dreg:$0x0] =	wrdreg $0x0  }
0xa9: {  	s6 =	sshll.u32 s28, $0x1;
	[dreg:$0x2] =	wrdreg s4  }
0xaa: {  	[dreg:$0x3] =	wrdreg s6  }
0xab: {  	[dreg:$0x4] =	wrdreg $0xC0  }
0xac: {  	_ =	task [dreg:s8], $0x5FFFF  }
0xad: {  	[dreg:$0x1] =	wrdreg $0xFFFFFFFF  }
0xae: {  	[dreg:$0x0] =	wrdreg $0x60  }
0xaf: {  	[dreg:$0x2] =	wrdreg s24  }
0xb0: {  	[dreg:$0x3] =	wrdreg s2  }
0xb1: {  	[dreg:$0x4] =	wrdreg s18  }
0xb2: {  	[dreg:$0x5] =	wrdreg $0x1D2000  }
0xb3: {  	[dreg:$0x6] =	wrdreg $0x9  }
0xb4: {  	_ =	task.clear_ibuf [dreg:s8], $0x7FFFF;
	_ =	strace $0x90000046  }
0xb5: {  	s29 =	simm.s32 $0x9;
	_ =	strace $0x80000048  }
0xb6: {  	_ =	swait.ge [sflag:s29], $0x1  }
0xb7: {  	[sflag:s29] =	ssyncadd.s32 $0xFFFFFFFF  }
0xb8: {  	_ =	strace $0x90000048  }
0xb9: {  	_ =	sfence  }
0xba: {  	s30 =	sld [smem:$0x0];
	_ =	sdelay $0x2  }
0xbb: {  	s31 =	sshll.u32 s1, $0xD;
	s1 =	sshrl.u32 s1, $0x2  }
0xbc: {  	s3 =	sand.u32 $0x4000, s31;
	s1 =	sadd.s32 s1, s30  }
0xbd: {  	s0 =	sor.u32 s3, s0;
	s1 =	sshll.u32 s1, $0x11  }
0xbe: {  	s0 =	sor.u32 s1, s0  }
0xbf: {  	s0 =	sadd.s32 $0x8F2B, s0  }
0xc0: {  	[sflag:s0] =	ssyncadd.remote.s32 $0x1  }
0xc1: {  	_ =	sfence.sel $0xFFFF  }
0xc2: {  	[dreg:$0x0] =	wrdreg $0xFFFFFFFF;
	(pc) =	sbr.abs _section_cstart, $3  }
0xc3: {  	[dreg:$0x1] =	wrdreg $0xFFFFFFFF  }
0xc4: {  	_ =	task.clear_ibuf [dreg:s8], $0x2FFFF;
	_ =	strace $0x9FFFFFFF  }
0xc5: {  	(tm) =	ssettm $0x7FFFFFFF  }
tec
execute0_lowered:
.L_overlay_start_1:
0x0: {  	(tag) =	ssettag $0x1  }
0x1: {  	s0 =	rddreg [dreg:$0x0]  }
0x2: {  	s1 =	rddreg [dreg:$0x1]  }
0x3: {  	s2 =	rddreg [dreg:$0x2]  }
0x4: {  	s3 =	rddreg [dreg:$0x3]  }
0x5: {  	s4 =	simm.s32 $0x0;
	s5 =	srdreg.scid;
	s6 =	stileid.u32  }
0x6: {  	s18 =	simm.s32 $0x18700;
	s19 =	simm.s32 $0x19380;
	s20 =	simm.s32 $0x1  }
0x7: {  	s21 =	simm.s32 $0x80;
	s22 =	simm.s32 $0x400;
	s28 =	simm.s32 $0x1C580  }
0x8: {  	s31 =	simm.s32 $0x0;
	[smem:$0x7FF] =	sst s4;
	s5 =	sand.u32 $0x1, s5  }
0x9: {  	s7 =	sshll.u32 s6, $0x1;
	s10 =	sadd.s32 $0xC00, s0;
	s0 =	sadd.s32 $0x31A00, s0  }
0xa: {  	s25 =	sshrl.u32 s6, $0x1;
	p0 =	sne.s32 s6, $0x0;
	p1 =	seq.s32 s6, $0x0  }
0xb: {  	_ =	strace $0x80000047;
	s7 =	sor.u32 s5, s7;
	s5 =	ssub.s32 $0x2, s5  }
0xc: {  	s8 =	sshllo.u32 s7, $0x1;
	s9 =	smul.u32 $0x186A, s7;
	s11 =	sshrl.u32 s5, $0x1  }
0xd: {  	s26 =	sshll.u32 s7, $0x8;
	s12 =	smul.u32 $0xC35, s8;
	s5 =	ssub.s32 s5, s11  }
0xe: {  	s29 =	sshll.u32 s8, $0x7;
	s23 =	sadd.s32 s10, s9;
	s9 =	sadd.s32 s0, s9  }
0xf: {  	s11 =	sand.u32 $0x380, s29;
	s30 =	smax.u32 s5, $0x1;
	[dreg:$0x5] =	wrdreg s23  }
.Ltmp0:
0x10: {  	[dreg:$0x6] =	wrdreg s9;
	s24 =	sadd.s32 s10, s12;
	(pc) =	sbr.rel .LBB2_1-.Ltmp0, $4  }
0x11: {  	s0 =	sadd.s32 s0, s12;
	s9 =	smul.u32 $0x61A800, s25;
	[dreg:$0x9] =	wrdreg s30  }
0x12: {  	s10 =	sand.u32 $0x300, s26;
	s23 =	simm.s32 $0x1A000;
	[dreg:$0x7] =	wrdreg s24  }
0x13: {  	s25 =	simm.s32 $0x2;
	[dreg:$0x8] =	wrdreg s0;
	s0 =	sshrl.u32 @!p0 s3, $0x3  }
0x14: {  	s26 =	simm.s32 $0x1B900;
	s24 =	simm.s32 $0x1AC80;
	[dreg:$0xa] =	wrdreg s0  }
.LBB2_14:
0x15: {  	s0 =	simm.s32 $0x3  }
0x16: {  	_ =	swait.ge [sflag:s0], $0xC80  }
0x17: {  	[sflag:s0] =	ssyncset.done $0x0  }
0x18: {  	[sflag:s0] =	ssyncadd.s32 $0xFFFFF380  }
0x19: {  	_ =	swait.ge [sflag:s0], $0xC80  }
0x1a: {  	[sflag:s0] =	ssyncset.done $0x0  }
0x1b: {  	s5 =	simm.s32 $0x4;
	[sflag:s0] =	ssyncadd.s32 $0xFFFFF380  }
0x1c: {  	_ =	swait.ge [sflag:s5], $0xC80  }
0x1d: {  	[sflag:s5] =	ssyncset.done $0x0  }
0x1e: {  	[sflag:s5] =	ssyncadd.s32 $0xFFFFF380  }
0x1f: {  	_ =	swait.ge [sflag:s5], $0xC80  }
0x20: {  	s31 =	sadd.s32 $0x1, s31;
	s30 =	rddreg [dreg:$0x9]  }
0x21: {  	p2 =	sne.s32 s31, s30  }
.Ltmp1:
0x22: {  	_ = 	snop;
	(pc) =	sbr.rel @!p2 .LBB2_15-.Ltmp1, $3  }
0x23: {  	_ =	sdelay $0x1  }
0x24: {  	[sflag:s5] =	ssyncset.done $0x0  }
0x25: {  	[sflag:s5] =	ssyncadd.s32 $0xFFFFF380  }
.LBB2_1:
0x26: {  	s0 =	simm.s32 @!p0 $0x1C07;
	s5 =	rddreg [dreg:$0xa]  }
0x27: {  	[spmem:s5], [sflag:s0] =	dma.local @!p0 [hbm:s1], $0xFA0  }
0x28: {  	s0 =	simm.s32 @!p0 $0x7  }
0x29: {  	_ =	swait.ge @!p0 [sflag:s0], $0xFA0  }
0x2a: {  	[sflag:s0] =	ssyncset.done @!p0 $0x0  }
0x2b: {  	s12 =	rddreg [dreg:$0x5];
	[sflag:s0] =	ssyncadd.s32 @!p0 $0xFFFFF060  }
0x2c: {  	[tilespmem:s4], [sflag:$0x6] =	stream.linear.gather [hbm4b:s12+s4], $0x61A8, $0x38;
	[tilespmem:$0x1E1A0] =	vst v63  }
0x2d: {  	s14 =	simm.s32 $0x61A8;
	s13 =	rddreg [dreg:$0x6]  }
0x2e: {  	[tilespmem:s14], [sflag:$0x6] =	stream.linear.gather [hbm4b:s13+s4], $0x61A8, $0x38;
	[tilespmem:$0x1E1A0] =	vst v63  }
0x2f: {  	s16 =	simm.s32 $0xC350;
	s15 =	rddreg [dreg:$0x7]  }
0x30: {  	[tilespmem:s16], [sflag:$0x6] =	stream.linear.gather [hbm4b:s15+s4], $0x61A8, $0x38;
	[tilespmem:$0x1E1A0] =	vst v63  }
0x31: {  	s29 =	simm.s32 $0x124F8;
	s30 =	simm.s32 $0x6;
	s17 =	rddreg [dreg:$0x8]  }
0x32: {  	[tilespmem:s29], [sflag:$0x6] =	stream.linear.gather [hbm4b:s17+s4], $0x61A8, $0x38;
	[tilespmem:$0x1E1A0] =	vst v63  }
0x33: {  	_ =	swait.ge [sflag:s30], $0x61A8  }
0x34: {  	[sflag:s30] =	ssyncset.done $0x0  }
0x35: {  	[sflag:s30] =	ssyncadd.s32 $0xFFFF9E58  }
0x36: {  	_ =	swait.ge [sflag:s30], $0x61A8  }
0x37: {  	[sflag:s30] =	ssyncset.done $0x0  }
0x38: {  	[sflag:s30] =	ssyncadd.s32 $0xFFFF9E58  }
0x39: {  	_ =	swait.ge [sflag:s30], $0x61A8  }
0x3a: {  	[sflag:s30] =	ssyncset.done $0x0  }
0x3b: {  	[sflag:s30] =	ssyncadd.s32 $0xFFFF9E58  }
.Ltmp2:
0x3c: {  	_ =	swait.ge [sflag:s30], $0x61A8;
	(pc) =	sbr.rel .LBB2_2-.Ltmp2, $4  }
0x3d: {  	[sflag:s30] =	ssyncset.done $0x0  }
0x3e: {  	[sflag:s30] =	ssyncadd.s32 $0xFFFF9E58  }
0x3f: {  	[bflag:$0x0] =	sbarrier.arrive $0xFFFF  }
0x40: {  	s0 =	simm.s32 $0x0  }
.LBB2_13:
0x41: {  	s5 =	simm.s32 @p2 $0x5  }
0x42: {  	_ =	swait.ge @p2 [sflag:s5], $0xFA0  }
0x43: {  	[sflag:s5] =	ssyncset.done @p2 $0x0  }
0x44: {  	[sflag:s5] =	ssyncadd.s32 @p2 $0xFFFFF060;
	p2 =	sne.s32 s0, $0x19  }
.Ltmp3:
0x45: {  	_ = 	snop;
	(pc) =	sbr.rel @!p2 .LBB2_14-.Ltmp3, $2  }
0x46: {  	_ =	sdelay $0x1  }
0x47: {  	[bflag:$0x0] =	sbarrier.arrive $0xFFFF;
	_ =	sdelay $0x1  }
.LBB2_2:
0x48: {  	p2 =	sne.s32 s0, $0x18  }
0x49: {  	p2 =	por !p1, !p2  }
0x4a: {  	s6 =	sand.u32 $0x1, s0;
	p2 =	por !p2, !p2  }
0x4b: {  	s7 =	sxor.u32 @p2 $0x1, s6  }
0x4c: {  	s7 =	smul.u32 @p2 $0x1F400, s7  }
0x4d: {  	s5 =	smov.u32 s0;
	s0 =	sadd.s32 $0x1, s0;
	s6 =	smul.u32 $0x1F400, s6  }
0x4e: {  	s8 =	smul.u32 @p2 $0xFA0, s0;
	s7 =	sshrl.u32 @p2 s7, $0x2  }
0x4f: {  	s12 =	simm.s32 @p2 $0x1C05;
	s6 =	sshrl.u32 s6, $0x2;
	s7 =	sadd.s32 @p2 s7, s3  }
0x50: {  	s8 =	sadd.s32 @p2 s1, s8;
	s14 =	sadd.s32 s6, s3;
	s7 =	sshrl.u32 @p2 s7, $0x3  }
0x51: {  	[spmem:s7], [sflag:s12] =	dma.local @p2 [hbm:s8], $0xFA0  }
0x52: {  	[tilespmem:s18], [sflag:$0x1] =	stream.linear.gather [spmem:s14], $0xC80, $0x38;
	[tilespmem:$0x1E1A0] =	vst v63  }
0x53: {  	s16 =	simm.s32 $0x0;
	s15 =	smul.u32 $0xA, s5;
	s6 =	sadd.s32 $0xC80, s14  }
0x54: {  	[tilespmem:s19], [sflag:$0x2] =	stream.linear.gather [spmem:s6], $0xC80, $0x38;
	[tilespmem:$0x1E1A0] =	vst v63  }
.LBB2_3:
0x55: {  	s5 =	sshll.u32 s16, $0x1  }
0x56: {  	_ =	swait.ge [sflag:s20], $0xC80;
	s6 =	sadd.s32 s15, s5  }
0x57: {  	[sflag:s20] =	ssyncset.done $0x0;
	p3 =	seq.s32 s6, $0x0  }
0x58: {  	[sflag:s20] =	ssyncadd.s32 $0xFFFFF380;
	s7 =	simm.s32 @!p3 $0x3  }
0x59: {  	_ =	swait.ge @!p3 [sflag:s7], $0xC80  }
0x5a: {  	[sflag:s7] =	ssyncset.done @!p3 $0x0  }
0x5b: {  	[sflag:s7] =	ssyncadd.s32 @!p3 $0xFFFFF380  }
0x5c: {  	_ =	swait.ge @!p3 [sflag:s7], $0xC80  }
0x5d: {  	[sflag:s7] =	ssyncset.done @!p3 $0x0  }
0x5e: {  	s8 =	simm.s32 $0x18780;
	[sflag:s7] =	ssyncadd.s32 @!p3 $0xFFFFF380  }
0x5f: {  	v0 =	vld [tilespmem:s8+$0x70]  }
0x60: {  	v1 =	vld [tilespmem:s8+$0xFFFFFF90]  }
0x61: {  	v2 =	vld [tilespmem:s8+$0xFFFFFFA0]  }
0x62: {  	v3 =	vld [tilespmem:s8+$0xFFFFFFB0]  }
0x63: {  	v4 =	vld [tilespmem:s8+$0xFFFFFFC0]  }
0x64: {  	v5 =	vld [tilespmem:s8+$0xFFFFFFD0]  }
0x65: {  	v6 =	vld [tilespmem:s8+$0xFFFFFFE0]  }
0x66: {  	v7 =	vld [tilespmem:s8+$0xFFFFFFF0]  }
0x67: {  	v9 =	vld [tilespmem:s8+$0x0]  }
0x68: {  	v10 =	vld [tilespmem:s8+$0x10]  }
0x69: {  	v11 =	vld [tilespmem:s8+$0x20]  }
0x6a: {  	v12 =	vld [tilespmem:s8+$0x30]  }
0x6b: {  	v13 =	vld [tilespmem:s8+$0x40]  }
0x6c: {  	v14 =	vld [tilespmem:s8+$0x50]  }
0x6d: {  	v50 =	vld [tilespmem:s8+$0x60]  }
0x6e: {  	v15 =	vld [tilespmem:s8+$0xFFFFFF80]  }
0x6f: {  	v8 =	vld.idx.msk [tilespmem:v0+s4+$0x0], $0xffff  }
0x70: {  	v0 =	vadd.s32 $0xC350, v0;
	v16 =	vld.idx.msk [tilespmem:v1+s4+$0x0], $0xffff  }
0x71: {  	v17 =	vld.idx.msk [tilespmem:v2+s4+$0x0], $0xffff  }
0x72: {  	v18 =	vld.idx.msk [tilespmem:v3+s4+$0x0], $0xffff  }
0x73: {  	s7 =	simm.s32 $0x1AD70;
	v19 =	vld.idx.msk [tilespmem:v4+s4+$0x0], $0xffff  }
0x74: {  	v20 =	vld.idx.msk [tilespmem:v5+s4+$0x0], $0xffff;
	[tilespmem:s7+$0xFFFFF380] =	vst v8  }
0x75: {  	v0 =	vld.idx.msk [tilespmem:v0+s4+$0x0], $0xffff  }
0x76: {  	v51 =	vld.idx.msk [tilespmem:v7+s4+$0x0], $0xffff;
	[tilespmem:s7+$0xFFFFF2A0] =	vst v16  }
0x77: {  	v21 =	vld.idx.msk [tilespmem:v15+s4+$0x0], $0xffff;
	[tilespmem:s7+$0xFFFFF2B0] =	vst v17  }
0x78: {  	v52 =	vld.idx.msk [tilespmem:v9+s4+$0x0], $0xffff;
	[tilespmem:s7+$0xFFFFF2C0] =	vst v18  }
0x79: {  	v53 =	vld.idx.msk [tilespmem:v10+s4+$0x0], $0xffff;
	[tilespmem:s7+$0xFFFFF2D0] =	vst v19  }
0x7a: {  	[tilespmem:s7+$0x0] =	vst v0;
	v0 =	vld.idx.msk [tilespmem:v6+s4+$0x0], $0xffff  }
0x7b: {  	v15 =	vadd.s32 $0xC350, v15;
	v54 =	vld.idx.msk [tilespmem:v11+s4+$0x0], $0xffff;
	[tilespmem:s7+$0xFFFFF2E0] =	vst v20  }
0x7c: {  	v1 =	vadd.s32 $0xC350, v1;
	v55 =	vld.idx.msk [tilespmem:v13+s4+$0x0], $0xffff;
	[tilespmem:s7+$0xFFFFF300] =	vst v51  }
0x7d: {  	v2 =	vadd.s32 $0xC350, v2;
	v56 =	vld.idx.msk [tilespmem:v14+s4+$0x0], $0xffff;
	[tilespmem:s7+$0xFFFFF290] =	vst v21  }
0x7e: {  	v3 =	vadd.s32 $0xC350, v3;
	v57 =	vld.idx.msk [tilespmem:v50+s4+$0x0], $0xffff;
	[tilespmem:s7+$0xFFFFF310] =	vst v52  }
0x7f: {  	v4 =	vadd.s32 $0xC350, v4;
	[tilespmem:s7+$0xFFFFF2F0] =	vst v0;
	v0 =	vld.idx.msk [tilespmem:v12+s4+$0x0], $0xffff  }
0x80: {  	v5 =	vadd.s32 $0xC350, v5;
	[tilespmem:s7+$0xFFFFF320] =	vst v53;
	v15 =	vld.idx.msk [tilespmem:v15+s4+$0x0], $0xffff  }
0x81: {  	v7 =	vadd.s32 $0xC350, v7;
	[tilespmem:s7+$0xFFFFF330] =	vst v54;
	v1 =	vld.idx.msk [tilespmem:v1+s4+$0x0], $0xffff  }
0x82: {  	v59 =	vadd.s32 $0xC350, v11;
	[tilespmem:s7+$0xFFFFF350] =	vst v55;
	v2 =	vld.idx.msk [tilespmem:v2+s4+$0x0], $0xffff  }
0x83: {  	[tilespmem:s7+$0xFFFFF360] =	vst v56;
	v3 =	vld.idx.msk [tilespmem:v3+s4+$0x0], $0xffff;
	v6 =	vadd.s32 $0xC350, v6  }
0x84: {  	v4 =	vld.idx.msk [tilespmem:v4+s4+$0x0], $0xffff;
	[tilespmem:s7+$0xFFFFF340] =	vst v0;
	v0 =	vadd.s32 $0xC350, v9  }
0x85: {  	v58 =	vadd.s32 $0xC350, v10;
	[tilespmem:s7+$0xFFFFF370] =	vst v57;
	v5 =	vld.idx.msk [tilespmem:v5+s4+$0x0], $0xffff  }
0x86: {  	v61 =	vadd.s32 $0xC350, v13;
	v7 =	vld.idx.msk [tilespmem:v7+s4+$0x0], $0xffff;
	[tilespmem:s7+$0xFFFFFF10] =	vst v15  }
0x87: {  	v60 =	vadd.s32 $0xC350, v12;
	[tilespmem:s7+$0xFFFFFF20] =	vst v1;
	v1 =	vld.idx.msk [tilespmem:v59+s4+$0x0], $0xffff  }
0x88: {  	v62 =	vadd.s32 $0xC350, v14;
	[tilespmem:s7+$0xFFFFFF30] =	vst v2;
	v6 =	vld.idx.msk [tilespmem:v6+s4+$0x0], $0xffff  }
0x89: {  	v8 =	vadd.s32 $0xC350, v50;
	[tilespmem:s7+$0xFFFFFF40] =	vst v3;
	v63 =	vld.idx.msk [tilespmem:v0+s4+$0x0], $0xffff  }
0x8a: {  	[tilespmem:s7+$0xFFFFFF50] =	vst v4;
	v0 =	vld.idx.msk [tilespmem:v58+s4+$0x0], $0xffff  }
0x8b: {  	[tilespmem:s7+$0xFFFFFF60] =	vst v5;
	v3 =	vld.idx.msk [tilespmem:v61+s4+$0x0], $0xffff  }
0x8c: {  	[tilespmem:s7+$0xFFFFFF80] =	vst v7;
	v2 =	vld.idx.msk [tilespmem:v60+s4+$0x0], $0xffff  }
0x8d: {  	s29 =	simm.s32 $0x0;
	s12 =	simm.s32 $0xC00;
	v4 =	vld.idx.msk [tilespmem:v62+s4+$0x0], $0xffff;
	[tilespmem:s7+$0xFFFFFF70] =	vst v6  }
0x8e: {  	s13 =	simm.s32 $0x19300;
	s30 =	simm.s32 $0x18880;
	s8 =	simm.s32 $0x1AC00;
	v5 =	vld.idx.msk [tilespmem:v8+s4+$0x0], $0xffff;
	[tilespmem:s7+$0xFFFFFF90] =	vst v63  }
.LBB2_4:
0x8f: {  	v6 =	vld [tilespmem:s30+$0x70];
	s29 =	sadd.s32 $0x10, s29;
	[tilespmem:s7+$0xFFFFFFA0] =	vst v0  }
0x90: {  	v0 =	vld [tilespmem:s30+$0xFFFFFF90];
	p3 =	slt.u32 s29, $0xB0;
	[tilespmem:s7+$0xFFFFFFB0] =	vst v1  }
0x91: {  	v1 =	vld [tilespmem:s30+$0xFFFFFFA0];
	[tilespmem:s7+$0xFFFFFFC0] =	vst v2  }
0x92: {  	v2 =	vld [tilespmem:s30+$0xFFFFFFB0];
	[tilespmem:s7+$0xFFFFFFD0] =	vst v3  }
0x93: {  	v3 =	vld [tilespmem:s30+$0xFFFFFFC0];
	[tilespmem:s7+$0xFFFFFFE0] =	vst v4  }
0x94: {  	v4 =	vld [tilespmem:s30+$0xFFFFFFD0];
	[tilespmem:s7+$0xFFFFFFF0] =	vst v5  }
0x95: {  	v5 =	vadd.s32 $0xC350, v0;
	v7 =	vld [tilespmem:s30+$0xFFFFFFE0]  }
0x96: {  	v8 =	vadd.s32 $0xC350, v1;
	v9 =	vld [tilespmem:s30+$0xFFFFFFF0]  }
0x97: {  	v10 =	vadd.s32 $0xC350, v2;
	v11 =	vld.idx.msk [tilespmem:v6+s4+$0x0], $0xffff  }
0x98: {  	v12 =	vadd.s32 $0xC350, v3;
	v13 =	vld [tilespmem:s30+$0x0]  }
0x99: {  	v6 =	vadd.s32 $0xC350, v6;
	v14 =	vadd.s32 $0xC350, v4;
	v15 =	vld [tilespmem:s30+$0x10]  }
0x9a: {  	v16 =	vadd.s32 $0xC350, v7;
	v17 =	vld [tilespmem:s30+$0x20]  }
0x9b: {  	v18 =	vadd.s32 $0xC350, v9;
	v19 =	vld [tilespmem:s30+$0x30]  }
0x9c: {  	s7 =	sadd.s32 $0x100, s7;
	v20 =	vld [tilespmem:s30+$0x40]  }
0x9d: {  	v21 =	vadd.s32 $0xC350, v13;
	v22 =	vld [tilespmem:s30+$0x50];
	[tilespmem:s7+$0xFFFFF380] =	vst v11  }
0x9e: {  	v11 =	vadd.s32 $0xC350, v15;
	v6 =	vld.idx.msk [tilespmem:v6+s4+$0x0], $0xffff  }
0x9f: {  	v23 =	vadd.s32 $0xC350, v17;
	v24 =	vld [tilespmem:s30+$0x60]  }
0xa0: {  	v25 =	vld [tilespmem:s30+$0xFFFFFF80];
	v26 =	vadd.s32 $0xC350, v19  }
0xa1: {  	v0 =	vld.idx.msk [tilespmem:v0+s4+$0x0], $0xffff;
	v27 =	vadd.s32 $0xC350, v20  }
0xa2: {  	v1 =	vld.idx.msk [tilespmem:v1+s4+$0x0], $0xffff;
	v28 =	vadd.s32 $0xC350, v22  }
0xa3: {  	v2 =	vld.idx.msk [tilespmem:v2+s4+$0x0], $0xffff  }
0xa4: {  	s17 =	simm.s32 $0x1AC80;
	v3 =	vld.idx.msk [tilespmem:v3+s4+$0x0], $0xffff;
	v29 =	vadd.s32 $0xC350, v24;
	[tilespmem:s7+$0x0] =	vst v6  }
0xa5: {  	v6 =	vadd.s32 $0xC350, v25;
	v4 =	vld.idx.msk [tilespmem:v4+s4+$0x0], $0xffff  }
0xa6: {  	v7 =	vld.idx.msk [tilespmem:v7+s4+$0x0], $0xffff  }
0xa7: {  	[tilespmem:s7+$0xFFFFF2A0] =	vst v0;
	v0 =	vld.idx.msk [tilespmem:v9+s4+$0x0], $0xffff  }
0xa8: {  	v9 =	vld.idx.msk [tilespmem:v25+s4+$0x0], $0xffff;
	[tilespmem:s7+$0xFFFFF2B0] =	vst v1  }
0xa9: {  	[tilespmem:s7+$0xFFFFF2C0] =	vst v2;
	v1 =	vld.idx.msk [tilespmem:v13+s4+$0x0], $0xffff  }
0xaa: {  	[tilespmem:s7+$0xFFFFF2D0] =	vst v3;
	v2 =	vld.idx.msk [tilespmem:v15+s4+$0x0], $0xffff  }
0xab: {  	[tilespmem:s7+$0xFFFFF2E0] =	vst v4;
	v3 =	vld.idx.msk [tilespmem:v17+s4+$0x0], $0xffff  }
0xac: {  	[tilespmem:s7+$0xFFFFF2F0] =	vst v7;
	v4 =	vld.idx.msk [tilespmem:v19+s4+$0x0], $0xffff  }
0xad: {  	[tilespmem:s7+$0xFFFFF300] =	vst v0;
	v0 =	vld.idx.msk [tilespmem:v20+s4+$0x0], $0xffff  }
0xae: {  	[tilespmem:s7+$0xFFFFF290] =	vst v9;
	v7 =	vld.idx.msk [tilespmem:v22+s4+$0x0], $0xffff  }
0xaf: {  	[tilespmem:s7+$0xFFFFF310] =	vst v1;
	v1 =	vld.idx.msk [tilespmem:v24+s4+$0x0], $0xffff  }
0xb0: {  	v6 =	vld.idx.msk [tilespmem:v6+s4+$0x0], $0xffff;
	[tilespmem:s7+$0xFFFFF320] =	vst v2  }
0xb1: {  	v2 =	vld.idx.msk [tilespmem:v5+s4+$0x0], $0xffff;
	[tilespmem:s7+$0xFFFFF330] =	vst v3  }
0xb2: {  	v3 =	vld.idx.msk [tilespmem:v8+s4+$0x0], $0xffff;
	[tilespmem:s7+$0xFFFFF340] =	vst v4  }
0xb3: {  	v4 =	vld.idx.msk [tilespmem:v10+s4+$0x0], $0xffff;
	[tilespmem:s7+$0xFFFFF350] =	vst v0  }
0xb4: {  	v5 =	vld.idx.msk [tilespmem:v12+s4+$0x0], $0xffff;
	[tilespmem:s7+$0xFFFFF360] =	vst v7  }
0xb5: {  	v7 =	vld.idx.msk [tilespmem:v14+s4+$0x0], $0xffff;
	[tilespmem:s7+$0xFFFFF370] =	vst v1  }
0xb6: {  	[tilespmem:s7+$0xFFFFFF10] =	vst v6;
	v6 =	vld.idx.msk [tilespmem:v16+s4+$0x0], $0xffff  }
0xb7: {  	[tilespmem:s7+$0xFFFFFF20] =	vst v2;
	v8 =	vld.idx.msk [tilespmem:v18+s4+$0x0], $0xffff  }
0xb8: {  	[tilespmem:s7+$0xFFFFFF30] =	vst v3;
	v9 =	vld.idx.msk [tilespmem:v21+s4+$0x0], $0xffff  }
0xb9: {  	[tilespmem:s7+$0xFFFFFF40] =	vst v4;
	v0 =	vld.idx.msk [tilespmem:v11+s4+$0x0], $0xffff  }
.Ltmp4:
0xba: {  	[tilespmem:s7+$0xFFFFFF50] =	vst v5;
	v1 =	vld.idx.msk [tilespmem:v23+s4+$0x0], $0xffff;
	(pc) =	sbr.rel @p3 .LBB2_4-.Ltmp4, $4  }
0xbb: {  	[tilespmem:s7+$0xFFFFFF60] =	vst v7;
	v2 =	vld.idx.msk [tilespmem:v26+s4+$0x0], $0xffff  }
0xbc: {  	[tilespmem:s7+$0xFFFFFF70] =	vst v6;
	v3 =	vld.idx.msk [tilespmem:v27+s4+$0x0], $0xffff  }
0xbd: {  	[tilespmem:s7+$0xFFFFFF80] =	vst v8;
	v4 =	vld.idx.msk [tilespmem:v28+s4+$0x0], $0xffff  }
0xbe: {  	s30 =	sadd.s32 $0x100, s30;
	[tilespmem:s7+$0xFFFFFF90] =	vst v9;
	v5 =	vld.idx.msk [tilespmem:v29+s4+$0x0], $0xffff  }
0xbf: {  	[tilespmem:s7+$0xFFFFFFA0] =	vst v0  }
0xc0: {  	[tilespmem:s7+$0xFFFFFFB0] =	vst v1  }
0xc1: {  	[tilespmem:s7+$0xFFFFFFC0] =	vst v2  }
0xc2: {  	[tilespmem:s7+$0xFFFFFFD0] =	vst v3  }
0xc3: {  	[tilespmem:s7+$0xFFFFFFE0] =	vst v4  }
0xc4: {  	[tilespmem:s7+$0xFFFFFFF0] =	vst v5  }
.LBB2_6:
0xc5: {  	v0 =	vld [tilespmem:s13+$0x0];
	_ =	sdelay $0x7  }
0xc6: {  	v1 =	vld.idx.msk [tilespmem:v0+s4+$0x0], $0xffff  }
0xc7: {  	v0 =	vadd.s32 $0xC350, v0;
	_ =	sdelay $0x3  }
0xc8: {  	[tilespmem:s8+$0x0] =	vst v1  }
0xc9: {  	p3 =	sne.s32 s12, $0xC70;
	v0 =	vld.idx.msk [tilespmem:v0+s4+$0x0], $0xffff  }
.Ltmp5:
0xca: {  	_ = 	snop;
	(pc) =	sbr.rel @p3 .LBB2_6-.Ltmp5, $4  }
0xcb: {  	_ = 	snop  }
0xcc: {  	s7 =	sand.u32 $0x3FFFFF80, s12  }
0xcd: {  	s13 =	sadd.s32 $0x10, s13;
	s7 =	sadd.s32 s7, s17  }
0xce: {  	s12 =	sadd.s32 $0x10, s12;
	s17 =	sadd.s32 $0x10, s17;
	s8 =	sadd.s32 $0x10, s8;
	[tilespmem:s7+$0x0] =	vst v0  }
0xcf: {  	s6 =	smul.u32 $0x6400, s6;
	_ =	sdelay $0x1  }
0xd0: {  	s6 =	sadd.s32 s9, s6  }
0xd1: {  	s7 =	sor.u32 s10, s6  }
0xd2: {  	s6 =	sor.u32 s11, s6;
	s7 =	sshrl.u32 s7, $0x3  }
0xd3: {  	p3 =	seq.s32 s16, $0x4;
	s6 =	sshrl.u32 s6, $0x3;
	s7 =	sadd.s32 s2, s7  }
0xd4: {  	[hbm4b:s7+s21] =	stream.strided.scatter [tilespmem:s23], [sflag:$0x3], $0xC80, s22, s21, $0x38;
	[tilespmem:$0x1E1A0] =	vst v63  }
0xd5: {  	s6 =	sadd.s32 s2, s6;
	s7 =	smul.u32 @!p3 $0x6400, s16  }
0xd6: {  	[hbm4b:s6+s21] =	stream.strided.scatter [tilespmem:s24], [sflag:$0x3], $0xC80, s22, s21, $0x38;
	[tilespmem:$0x1E1A0] =	vst v63  }
0xd7: {  	s6 =	sshra.s32 @!p3 s7, $0x2  }
0xd8: {  	s6 =	sadd.s32 @!p3 s6, s14  }
0xd9: {  	s5 =	sadd.s32 s5, s15;
	s7 =	simm.s32 @!p3 $0x18700;
	s6 =	sadd.s32 @!p3 $0x1900, s6  }
0xda: {  	[tilespmem:s7], [sflag:$0x1] =	stream.linear.gather @!p3 [spmem:s6], $0xC80, $0x38;
	[tilespmem:$0x1E1A0] =	vst v63  }
0xdb: {  	s5 =	sadd.s32 $0x1, s5;
	_ =	swait.ge [sflag:s25], $0xC80  }
0xdc: {  	p4 =	seq.s32 s5, $0x1;
	[sflag:s25] =	ssyncset.done $0x0  }
0xdd: {  	s6 =	simm.s32 @!p4 $0x4;
	[sflag:s25] =	ssyncadd.s32 $0xFFFFF380  }
0xde: {  	_ =	swait.ge @!p4 [sflag:s6], $0xC80  }
0xdf: {  	[sflag:s6] =	ssyncset.done @!p4 $0x0  }
0xe0: {  	[sflag:s6] =	ssyncadd.s32 @!p4 $0xFFFFF380  }
0xe1: {  	_ =	swait.ge @!p4 [sflag:s6], $0xC80  }
0xe2: {  	[sflag:s6] =	ssyncset.done @!p4 $0x0  }
0xe3: {  	s30 =	simm.s32 $0x19470;
	[sflag:s6] =	ssyncadd.s32 @!p4 $0xFFFFF380  }
0xe4: {  	v0 =	vld [tilespmem:s30+$0x0]  }
0xe5: {  	v1 =	vld [tilespmem:s30+$0xFFFFFF20]  }
0xe6: {  	v2 =	vld [tilespmem:s30+$0xFFFFFF30]  }
0xe7: {  	v3 =	vld [tilespmem:s30+$0xFFFFFF40]  }
0xe8: {  	v4 =	vld [tilespmem:s30+$0xFFFFFF50]  }
0xe9: {  	v5 =	vld [tilespmem:s30+$0xFFFFFF60]  }
0xea: {  	v6 =	vld [tilespmem:s30+$0xFFFFFF70]  }
0xeb: {  	v7 =	vld [tilespmem:s30+$0xFFFFFF80]  }
0xec: {  	v9 =	vld [tilespmem:s30+$0xFFFFFF90]  }
0xed: {  	v10 =	vld [tilespmem:s30+$0xFFFFFFA0]  }
0xee: {  	v11 =	vld [tilespmem:s30+$0xFFFFFFB0]  }
0xef: {  	v12 =	vld [tilespmem:s30+$0xFFFFFFC0]  }
0xf0: {  	v13 =	vld [tilespmem:s30+$0xFFFFFFD0]  }
0xf1: {  	v14 =	vld [tilespmem:s30+$0xFFFFFFE0]  }
0xf2: {  	v50 =	vld [tilespmem:s30+$0xFFFFFFF0]  }
0xf3: {  	v15 =	vld [tilespmem:s30+$0xFFFFFF10]  }
0xf4: {  	v8 =	vld.idx.msk [tilespmem:v0+s4+$0x0], $0xffff  }
0xf5: {  	v0 =	vadd.s32 $0xC350, v0;
	v16 =	vld.idx.msk [tilespmem:v1+s4+$0x0], $0xffff  }
0xf6: {  	v17 =	vld.idx.msk [tilespmem:v2+s4+$0x0], $0xffff  }
0xf7: {  	v18 =	vld.idx.msk [tilespmem:v3+s4+$0x0], $0xffff  }
0xf8: {  	s6 =	simm.s32 $0x1C670;
	v19 =	vld.idx.msk [tilespmem:v4+s4+$0x0], $0xffff  }
0xf9: {  	v20 =	vld.idx.msk [tilespmem:v5+s4+$0x0], $0xffff;
	[tilespmem:s6+$0xFFFFF380] =	vst v8  }
0xfa: {  	v0 =	vld.idx.msk [tilespmem:v0+s4+$0x0], $0xffff  }
0xfb: {  	v51 =	vld.idx.msk [tilespmem:v7+s4+$0x0], $0xffff;
	[tilespmem:s6+$0xFFFFF2A0] =	vst v16  }
0xfc: {  	v21 =	vld.idx.msk [tilespmem:v15+s4+$0x0], $0xffff;
	[tilespmem:s6+$0xFFFFF2B0] =	vst v17  }
0xfd: {  	v52 =	vld.idx.msk [tilespmem:v9+s4+$0x0], $0xffff;
	[tilespmem:s6+$0xFFFFF2C0] =	vst v18  }
0xfe: {  	v53 =	vld.idx.msk [tilespmem:v10+s4+$0x0], $0xffff;
	[tilespmem:s6+$0xFFFFF2D0] =	vst v19  }
0xff: {  	[tilespmem:s6+$0x0] =	vst v0;
	v0 =	vld.idx.msk [tilespmem:v6+s4+$0x0], $0xffff  }
0x100: {  	v15 =	vadd.s32 $0xC350, v15;
	v54 =	vld.idx.msk [tilespmem:v11+s4+$0x0], $0xffff;
	[tilespmem:s6+$0xFFFFF2E0] =	vst v20  }
0x101: {  	v1 =	vadd.s32 $0xC350, v1;
	v55 =	vld.idx.msk [tilespmem:v13+s4+$0x0], $0xffff;
	[tilespmem:s6+$0xFFFFF300] =	vst v51  }
0x102: {  	v2 =	vadd.s32 $0xC350, v2;
	v56 =	vld.idx.msk [tilespmem:v14+s4+$0x0], $0xffff;
	[tilespmem:s6+$0xFFFFF290] =	vst v21  }
0x103: {  	v3 =	vadd.s32 $0xC350, v3;
	v57 =	vld.idx.msk [tilespmem:v50+s4+$0x0], $0xffff;
	[tilespmem:s6+$0xFFFFF310] =	vst v52  }
0x104: {  	v4 =	vadd.s32 $0xC350, v4;
	[tilespmem:s6+$0xFFFFF2F0] =	vst v0;
	v0 =	vld.idx.msk [tilespmem:v12+s4+$0x0], $0xffff  }
0x105: {  	v5 =	vadd.s32 $0xC350, v5;
	[tilespmem:s6+$0xFFFFF320] =	vst v53;
	v15 =	vld.idx.msk [tilespmem:v15+s4+$0x0], $0xffff  }
0x106: {  	v7 =	vadd.s32 $0xC350, v7;
	[tilespmem:s6+$0xFFFFF330] =	vst v54;
	v1 =	vld.idx.msk [tilespmem:v1+s4+$0x0], $0xffff  }
0x107: {  	v59 =	vadd.s32 $0xC350, v11;
	[tilespmem:s6+$0xFFFFF350] =	vst v55;
	v2 =	vld.idx.msk [tilespmem:v2+s4+$0x0], $0xffff  }
0x108: {  	[tilespmem:s6+$0xFFFFF360] =	vst v56;
	v3 =	vld.idx.msk [tilespmem:v3+s4+$0x0], $0xffff;
	v6 =	vadd.s32 $0xC350, v6  }
0x109: {  	v4 =	vld.idx.msk [tilespmem:v4+s4+$0x0], $0xffff;
	[tilespmem:s6+$0xFFFFF340] =	vst v0;
	v0 =	vadd.s32 $0xC350, v9  }
0x10a: {  	v58 =	vadd.s32 $0xC350, v10;
	[tilespmem:s6+$0xFFFFF370] =	vst v57;
	v5 =	vld.idx.msk [tilespmem:v5+s4+$0x0], $0xffff  }
0x10b: {  	v61 =	vadd.s32 $0xC350, v13;
	v7 =	vld.idx.msk [tilespmem:v7+s4+$0x0], $0xffff;
	[tilespmem:s6+$0xFFFFFF10] =	vst v15  }
0x10c: {  	v60 =	vadd.s32 $0xC350, v12;
	[tilespmem:s6+$0xFFFFFF20] =	vst v1;
	v1 =	vld.idx.msk [tilespmem:v59+s4+$0x0], $0xffff  }
0x10d: {  	v62 =	vadd.s32 $0xC350, v14;
	[tilespmem:s6+$0xFFFFFF30] =	vst v2;
	v6 =	vld.idx.msk [tilespmem:v6+s4+$0x0], $0xffff  }
0x10e: {  	v8 =	vadd.s32 $0xC350, v50;
	[tilespmem:s6+$0xFFFFFF40] =	vst v3;
	v63 =	vld.idx.msk [tilespmem:v0+s4+$0x0], $0xffff  }
0x10f: {  	[tilespmem:s6+$0xFFFFFF50] =	vst v4;
	v0 =	vld.idx.msk [tilespmem:v58+s4+$0x0], $0xffff  }
0x110: {  	[tilespmem:s6+$0xFFFFFF60] =	vst v5;
	v3 =	vld.idx.msk [tilespmem:v61+s4+$0x0], $0xffff  }
0x111: {  	[tilespmem:s6+$0xFFFFFF80] =	vst v7;
	v2 =	vld.idx.msk [tilespmem:v60+s4+$0x0], $0xffff  }
0x112: {  	v4 =	vld.idx.msk [tilespmem:v62+s4+$0x0], $0xffff;
	[tilespmem:s6+$0xFFFFFF70] =	vst v6  }
0x113: {  	s8 =	simm.s32 $0x19570;
	s7 =	simm.s32 $0x0;
	v5 =	vld.idx.msk [tilespmem:v8+s4+$0x0], $0xffff;
	[tilespmem:s6+$0xFFFFFF90] =	vst v63  }
.LBB2_8:
0x114: {  	v6 =	vld [tilespmem:s8+$0x0];
	s7 =	sadd.s32 $0x10, s7;
	[tilespmem:s6+$0xFFFFFFA0] =	vst v0  }
0x115: {  	v0 =	vld [tilespmem:s8+$0xFFFFFF20];
	p4 =	slt.u32 s7, $0xB0;
	[tilespmem:s6+$0xFFFFFFB0] =	vst v1  }
0x116: {  	v1 =	vld [tilespmem:s8+$0xFFFFFF30];
	[tilespmem:s6+$0xFFFFFFC0] =	vst v2  }
0x117: {  	v2 =	vld [tilespmem:s8+$0xFFFFFF40];
	[tilespmem:s6+$0xFFFFFFD0] =	vst v3  }
0x118: {  	v3 =	vld [tilespmem:s8+$0xFFFFFF50];
	[tilespmem:s6+$0xFFFFFFE0] =	vst v4  }
0x119: {  	v4 =	vld [tilespmem:s8+$0xFFFFFF60];
	[tilespmem:s6+$0xFFFFFFF0] =	vst v5  }
0x11a: {  	v5 =	vadd.s32 $0xC350, v0;
	v7 =	vld [tilespmem:s8+$0xFFFFFF70]  }
0x11b: {  	v8 =	vadd.s32 $0xC350, v1;
	v9 =	vld [tilespmem:s8+$0xFFFFFF80]  }
0x11c: {  	v10 =	vadd.s32 $0xC350, v2;
	v11 =	vld.idx.msk [tilespmem:v6+s4+$0x0], $0xffff  }
0x11d: {  	v12 =	vadd.s32 $0xC350, v3;
	v13 =	vld [tilespmem:s8+$0xFFFFFF90]  }
0x11e: {  	v6 =	vadd.s32 $0xC350, v6;
	v14 =	vadd.s32 $0xC350, v4;
	v15 =	vld [tilespmem:s8+$0xFFFFFFA0]  }
0x11f: {  	v16 =	vadd.s32 $0xC350, v7;
	v17 =	vld [tilespmem:s8+$0xFFFFFFB0]  }
0x120: {  	v18 =	vadd.s32 $0xC350, v9;
	v19 =	vld [tilespmem:s8+$0xFFFFFFC0]  }
0x121: {  	s6 =	sadd.s32 $0x100, s6;
	v20 =	vld [tilespmem:s8+$0xFFFFFFD0]  }
0x122: {  	v21 =	vadd.s32 $0xC350, v13;
	v22 =	vld [tilespmem:s8+$0xFFFFFFE0];
	[tilespmem:s6+$0xFFFFF380] =	vst v11  }
0x123: {  	v11 =	vadd.s32 $0xC350, v15;
	v6 =	vld.idx.msk [tilespmem:v6+s4+$0x0], $0xffff  }
0x124: {  	v23 =	vadd.s32 $0xC350, v17;
	v24 =	vld [tilespmem:s8+$0xFFFFFFF0]  }
0x125: {  	v25 =	vld [tilespmem:s8+$0xFFFFFF10];
	v26 =	vadd.s32 $0xC350, v19  }
0x126: {  	v0 =	vld.idx.msk [tilespmem:v0+s4+$0x0], $0xffff;
	v27 =	vadd.s32 $0xC350, v20  }
0x127: {  	v1 =	vld.idx.msk [tilespmem:v1+s4+$0x0], $0xffff;
	v28 =	vadd.s32 $0xC350, v22  }
0x128: {  	s12 =	simm.s32 $0x19380;
	v2 =	vld.idx.msk [tilespmem:v2+s4+$0x0], $0xffff  }
0x129: {  	s13 =	simm.s32 $0xC00;
	s29 =	simm.s32 $0x1C580;
	s30 =	simm.s32 $0x1B900;
	v3 =	vld.idx.msk [tilespmem:v3+s4+$0x0], $0xffff;
	v29 =	vadd.s32 $0xC350, v24;
	[tilespmem:s6+$0x0] =	vst v6  }
0x12a: {  	v6 =	vadd.s32 $0xC350, v25;
	v4 =	vld.idx.msk [tilespmem:v4+s4+$0x0], $0xffff  }
0x12b: {  	v7 =	vld.idx.msk [tilespmem:v7+s4+$0x0], $0xffff  }
0x12c: {  	[tilespmem:s6+$0xFFFFF2A0] =	vst v0;
	v0 =	vld.idx.msk [tilespmem:v9+s4+$0x0], $0xffff  }
0x12d: {  	v9 =	vld.idx.msk [tilespmem:v25+s4+$0x0], $0xffff;
	[tilespmem:s6+$0xFFFFF2B0] =	vst v1  }
0x12e: {  	[tilespmem:s6+$0xFFFFF2C0] =	vst v2;
	v1 =	vld.idx.msk [tilespmem:v13+s4+$0x0], $0xffff  }
0x12f: {  	[tilespmem:s6+$0xFFFFF2D0] =	vst v3;
	v2 =	vld.idx.msk [tilespmem:v15+s4+$0x0], $0xffff  }
0x130: {  	[tilespmem:s6+$0xFFFFF2E0] =	vst v4;
	v3 =	vld.idx.msk [tilespmem:v17+s4+$0x0], $0xffff  }
0x131: {  	[tilespmem:s6+$0xFFFFF2F0] =	vst v7;
	v4 =	vld.idx.msk [tilespmem:v19+s4+$0x0], $0xffff  }
0x132: {  	[tilespmem:s6+$0xFFFFF300] =	vst v0;
	v0 =	vld.idx.msk [tilespmem:v20+s4+$0x0], $0xffff  }
0x133: {  	[tilespmem:s6+$0xFFFFF290] =	vst v9;
	v7 =	vld.idx.msk [tilespmem:v22+s4+$0x0], $0xffff  }
0x134: {  	[tilespmem:s6+$0xFFFFF310] =	vst v1;
	v1 =	vld.idx.msk [tilespmem:v24+s4+$0x0], $0xffff  }
0x135: {  	v6 =	vld.idx.msk [tilespmem:v6+s4+$0x0], $0xffff;
	[tilespmem:s6+$0xFFFFF320] =	vst v2  }
0x136: {  	v2 =	vld.idx.msk [tilespmem:v5+s4+$0x0], $0xffff;
	[tilespmem:s6+$0xFFFFF330] =	vst v3  }
0x137: {  	v3 =	vld.idx.msk [tilespmem:v8+s4+$0x0], $0xffff;
	[tilespmem:s6+$0xFFFFF340] =	vst v4  }
0x138: {  	v4 =	vld.idx.msk [tilespmem:v10+s4+$0x0], $0xffff;
	[tilespmem:s6+$0xFFFFF350] =	vst v0  }
0x139: {  	v5 =	vld.idx.msk [tilespmem:v12+s4+$0x0], $0xffff;
	[tilespmem:s6+$0xFFFFF360] =	vst v7  }
0x13a: {  	v7 =	vld.idx.msk [tilespmem:v14+s4+$0x0], $0xffff;
	[tilespmem:s6+$0xFFFFF370] =	vst v1  }
0x13b: {  	[tilespmem:s6+$0xFFFFFF10] =	vst v6;
	v6 =	vld.idx.msk [tilespmem:v16+s4+$0x0], $0xffff  }
0x13c: {  	[tilespmem:s6+$0xFFFFFF20] =	vst v2;
	v8 =	vld.idx.msk [tilespmem:v18+s4+$0x0], $0xffff  }
0x13d: {  	[tilespmem:s6+$0xFFFFFF30] =	vst v3;
	v9 =	vld.idx.msk [tilespmem:v21+s4+$0x0], $0xffff  }
0x13e: {  	[tilespmem:s6+$0xFFFFFF40] =	vst v4;
	v0 =	vld.idx.msk [tilespmem:v11+s4+$0x0], $0xffff  }
.Ltmp6:
0x13f: {  	[tilespmem:s6+$0xFFFFFF50] =	vst v5;
	v1 =	vld.idx.msk [tilespmem:v23+s4+$0x0], $0xffff;
	(pc) =	sbr.rel @p4 .LBB2_8-.Ltmp6, $4  }
0x140: {  	[tilespmem:s6+$0xFFFFFF60] =	vst v7;
	v2 =	vld.idx.msk [tilespmem:v26+s4+$0x0], $0xffff  }
0x141: {  	[tilespmem:s6+$0xFFFFFF70] =	vst v6;
	v3 =	vld.idx.msk [tilespmem:v27+s4+$0x0], $0xffff  }
0x142: {  	[tilespmem:s6+$0xFFFFFF80] =	vst v8;
	v4 =	vld.idx.msk [tilespmem:v28+s4+$0x0], $0xffff  }
0x143: {  	s8 =	sadd.s32 $0x100, s8;
	[tilespmem:s6+$0xFFFFFF90] =	vst v9;
	v5 =	vld.idx.msk [tilespmem:v29+s4+$0x0], $0xffff  }
0x144: {  	[tilespmem:s6+$0xFFFFFFA0] =	vst v0  }
0x145: {  	[tilespmem:s6+$0xFFFFFFB0] =	vst v1  }
0x146: {  	[tilespmem:s6+$0xFFFFFFC0] =	vst v2  }
0x147: {  	[tilespmem:s6+$0xFFFFFFD0] =	vst v3  }
0x148: {  	[tilespmem:s6+$0xFFFFFFE0] =	vst v4  }
0x149: {  	[tilespmem:s6+$0xFFFFFFF0] =	vst v5  }
.LBB2_10:
0x14a: {  	s6 =	sand.u32 $0x3FFFFF80, s13  }
0x14b: {  	s7 =	sadd.s32 s6, s12  }
0x14c: {  	v0 =	vld [tilespmem:s7+$0x0];
	_ =	sdelay $0x7  }
0x14d: {  	v1 =	vld.idx.msk [tilespmem:v0+s4+$0x0], $0xffff  }
0x14e: {  	v0 =	vadd.s32 $0xC350, v0;
	_ =	sdelay $0x2  }
0x14f: {  	s17 =	sadd.s32 s6, s30  }
0x150: {  	[tilespmem:s17+$0x0] =	vst v1  }
0x151: {  	p4 =	sne.s32 s13, $0xC70;
	v0 =	vld.idx.msk [tilespmem:v0+s4+$0x0], $0xffff  }
.Ltmp7:
0x152: {  	_ = 	snop;
	(pc) =	sbr.rel @p4 .LBB2_10-.Ltmp7, $3  }
0x153: {  	_ =	sdelay $0x1  }
0x154: {  	s13 =	sadd.s32 $0x10, s13;
	s6 =	sadd.s32 s6, s29  }
0x155: {  	s29 =	sadd.s32 $0x10, s29;
	s30 =	sadd.s32 $0x10, s30;
	s12 =	sadd.s32 $0x10, s12;
	[tilespmem:s6+$0x0] =	vst v0  }
0x156: {  	s5 =	smul.u32 $0x6400, s5;
	_ =	sdelay $0x1  }
0x157: {  	s5 =	sadd.s32 s9, s5  }
0x158: {  	s6 =	sor.u32 s10, s5  }
.Ltmp8:
0x159: {  	s5 =	sor.u32 s11, s5;
	s6 =	sshrl.u32 s6, $0x3;
	(pc) =	sbr.rel @p3 .LBB2_13-.Ltmp8, $4  }
0x15a: {  	s5 =	sshrl.u32 s5, $0x3;
	s6 =	sadd.s32 s2, s6  }
0x15b: {  	[hbm4b:s6+s21] =	stream.strided.scatter [tilespmem:s26], [sflag:$0x4], $0xC80, s22, s21, $0x38;
	[tilespmem:$0x1E1A0] =	vst v63  }
0x15c: {  	s5 =	sadd.s32 s2, s5  }
0x15d: {  	[hbm4b:s5+s21] =	stream.strided.scatter [tilespmem:s28], [sflag:$0x4], $0xC80, s22, s21, $0x38;
	[tilespmem:$0x1E1A0] =	vst v63  }
0x15e: {  	s5 =	smul.u32 $0x6400, s16  }
.Ltmp9:
0x15f: {  	_ = 	snop;
	(pc) =	sbr.rel .LBB2_3-.Ltmp9, $4  }
0x160: {  	s5 =	sshra.s32 s5, $0x2  }
0x161: {  	s5 =	sadd.s32 s5, s14  }
0x162: {  	s16 =	sadd.s32 $0x1, s16;
	s5 =	sadd.s32 $0x2580, s5  }
0x163: {  	[tilespmem:s19], [sflag:$0x2] =	stream.linear.gather [spmem:s5], $0xC80, $0x38;
	[tilespmem:$0x1E1A0] =	vst v63  }
.LBB2_15:
0x164: {  	_ =	sfence.sel $0x180000  }
0x165: {  	[bflag:$0x0] =	sbarrier.arrive $0xFFFF  }
0x166: {  	_ =	strace $0x90000047  }
0x167: {  	[bflag:$0x2] =	sbarrier.arrive $0xFFFF  }
0x168: {  	s0 =	rddreg [dreg:$0x4]  }
0x169: {  	s0 =	sadd.s32 @!p0 $0x100000, s0  }
0x16a: {  	[sflag:s0] =	ssyncadd.tile.s32 @!p0 $0x1;
	_ =	shalt  }
.Lfunc_end2:
_tile_overlayer_lowered:
.L_overlay_start_2:
0x16b: {  	(tag) =	ssettag $0x2  }
0x16c: {  	s0 =	rddreg [dreg:$0x0];
	s2 =	stileid.u32  }
0x16d: {  	s1 =	rddreg [dreg:$0x1];
	p0 =	sne.s32 s2, $0x0  }
0x16e: {  	s3 =	rddreg [dreg:$0x2];
	[bflag:$0x3] =	sbarrier.arrive $0xFFFF;
	s2 =	simm.s32 @!p0 $0x1C07  }
0x16f: {  	[timem:s3], [sflag:s2] =	dma.local @!p0 [hbm:s0], s1  }
0x170: {  	s0 =	simm.s32 @!p0 $0x7  }
0x171: {  	_ =	swait.ge @!p0 [sflag:s0], s1  }
0x172: {  	s1 =	ssub.s32 @!p0 $0x0, s1;
	[sflag:s0] =	ssyncset.done @!p0 $0x0  }
0x173: {  	[sflag:s0] =	ssyncadd.s32 @!p0 s1  }
0x174: {  	[bflag:$0x3] =	sbarrier.arrive $0xFFFF  }
0x175: {  	_ =	shalt  }

</sc_bundles>
